<compile_context>
chip_gen: v7x
topology: tpu7x:2x2x1
jax: 0.10.2.dev20260603
libtpu: 0.0.44.dev20260713+nightly
codegen_flags: <defaults>
</compile_context>

<pallas_src>
import functools

import jax
import jax.numpy as jnp
from jax import lax
from jax.experimental import pallas as pl
from jax.experimental.pallas import tpu as pltpu
from jax.experimental.pallas import tpu_sc as plsc

B, S, D = 4, 2048, 1024
NC, NS = 2, 16
NW = NC * NS
S_PER_W = S // NW
CHUNK = 16
NBUF = 3
CHUNKS_PER_B = S_PER_W // CHUNK
N_CHUNKS = B * CHUNKS_PER_B
CHUNK_ELEMS = CHUNK * D


def _body(x_hbm, tab_hbm, out_hbm, tab_buf, xbs, sem_t, sis, sos):
    wid = lax.axis_index("s") * NC + lax.axis_index("c")
    slab_row = wid * S_PER_W

    def xrow(c):
        b, cb = divmod(c, CHUNKS_PER_B)
        return b * S + slab_row + cb * CHUNK

    tab_d = pltpu.async_copy(
        tab_hbm.at[pl.ds(slab_row, S_PER_W)], tab_buf, sem_t)

    in_d = {}
    out_d = {}
    for c in range(NBUF - 1):
        in_d[c] = pltpu.async_copy(
            x_hbm.at[pl.ds(xrow(c), CHUNK)], xbs[c], sis[c])
    tab_d.wait()

    for c in range(N_CHUNKS):
        cq = c + NBUF - 1
        if cq < N_CHUNKS:
            q = cq % NBUF
            if cq - NBUF >= 0:
                out_d[cq - NBUF].wait()
            in_d[cq] = pltpu.async_copy(
                x_hbm.at[pl.ds(xrow(cq), CHUNK)], xbs[q], sis[q])
        p = c % NBUF
        in_d[c].wait()
        tr0 = (c % CHUNKS_PER_B) * CHUNK

        @plsc.parallel_loop(0, CHUNK_ELEMS, step=16, unroll=8)
        def _add(k, _p=p, _tr0=tr0):
            r = lax.shift_right_logical(k, 10)
            col = pl.multiple_of(lax.bitwise_and(k, D - 1), 16)
            plsc.addupdate(xbs[_p].at[r, pl.ds(col, 16)],
                           tab_buf[_tr0 + r, pl.ds(col, 16)])

        out_d[c] = pltpu.async_copy(
            xbs[p], out_hbm.at[pl.ds(xrow(c), CHUNK)], sos[p])

    for c in range(N_CHUNKS - NBUF, N_CHUNKS):
        out_d[c].wait()


@jax.jit
def _pe(x2, tab):
    mesh = plsc.VectorSubcoreMesh(core_axis_name="c", subcore_axis_name="s")
    f = functools.partial(
        pl.kernel,
        mesh=mesh,
        out_type=jax.ShapeDtypeStruct((B * S, D), jnp.float32),
        compiler_params=pltpu.CompilerParams(
            use_tc_tiling_on_sc=True, skip_device_barrier=True),
        scratch_types=[
            pltpu.VMEM((S_PER_W, D), jnp.float32),
            [pltpu.VMEM((CHUNK, D), jnp.float32) for _ in range(NBUF)],
            pltpu.SemaphoreType.DMA,
            [pltpu.SemaphoreType.DMA for _ in range(NBUF)],
            [pltpu.SemaphoreType.DMA for _ in range(NBUF)],
        ],
    )(_body)
    return f(x2, tab)


def kernel(x, pos_table):
    out = _pe(x.reshape(B * S, D), pos_table)
    return out.reshape(B, S, D)

# --- scband reference (transcript-rebuilt; emitter-appended) ---
"""Pipeline reference for scband-positional-encoding-10565619548292 (READ-ONLY COPY).

The authoritative reference and input builder live on the scoring server;
editing this copy changes nothing except your own understanding.
"""

import jax, jax.numpy as jnp
import numpy as np


def setup_inputs(seed: int = 0) -> dict:
    key = jax.random.key(seed)
    k_x, k_tab = jax.random.split(key)
    x = jax.random.normal(k_x, (4, 2048, 1024), dtype=jnp.float32)
    # learned positional embedding table: [max_len=2048, d_model=1024]
    pos_table = jax.random.normal(k_tab, (2048, 1024), dtype=jnp.float32) * 0.02
    return {"x": x, "pos_table": pos_table}


def reference(x, pos_table):
    # positions = arange(seq_len); pos_emb = Embedding(positions).unsqueeze(0)
    positions = jnp.arange(x.shape[1])
    pos_emb = jnp.take(pos_table, positions, axis=0)[None, :, :]
    return x + pos_emb

if __name__ == "__main__":
    import jax
    _d = setup_inputs()
    print(jax.jit(kernel)(*tuple(_d.values())))

</pallas_src>

<mosaic_0001>
#map = affine_map<(d0, d1) -> (0, 0)>
module attributes {stable_mosaic.version = 14 : i64} {
  func.func @_body(%arg0: i32, %arg1: i32, %arg2: memref<8192x1024xf32, #tpu.memory_space<hbm>>, %arg3: memref<2048x1024xf32, #tpu.memory_space<hbm>>, %arg4: memref<8192x1024xf32, #tpu.memory_space<hbm>>, %arg5: memref<64x1024xf32, #tpu.memory_space<vmem>>, %arg6: memref<16x1024xf32, #tpu.memory_space<vmem>>, %arg7: memref<16x1024xf32, #tpu.memory_space<vmem>>, %arg8: memref<16x1024xf32, #tpu.memory_space<vmem>>, %arg9: memref<!tpu.dma_semaphore, #tpu.memory_space<semaphore_mem>>, %arg10: memref<!tpu.dma_semaphore, #tpu.memory_space<semaphore_mem>>, %arg11: memref<!tpu.dma_semaphore, #tpu.memory_space<semaphore_mem>>, %arg12: memref<!tpu.dma_semaphore, #tpu.memory_space<semaphore_mem>>, %arg13: memref<!tpu.dma_semaphore, #tpu.memory_space<semaphore_mem>>, %arg14: memref<!tpu.dma_semaphore, #tpu.memory_space<semaphore_mem>>, %arg15: memref<!tpu.dma_semaphore, #tpu.memory_space<semaphore_mem>>) attributes {dimension_semantics = [#tpu.dimension_semantics<core_parallel>, #tpu.dimension_semantics<subcore_parallel>], iteration_bounds = array<i64: 2, 16>, scalar_prefetch = 0 : i64, scratch_operands = 11 : i64, tpu.core_type = #tpu.core_type<sc_vector_subcore>, window_params = [{transform_indices = #map}, {transform_indices = #map}, {transform_indices = #map}]} {
    %mul3A = arith.constant 2 : i32
    %mul3A_0 = arith.muli %arg1, %mul3A : i32
    %add3A = arith.addi %mul3A_0, %arg0 : i32
    %mul3A_1 = arith.constant 64 : i32
    %mul3A_2 = arith.muli %add3A, %mul3A_1 : i32
    %dma_start3A = arith.constant 0 : i32
    %dma_start3A_3 = tpu.memref_slice %arg3[%mul3A_2, %dma_start3A] : memref<2048x1024xf32, #tpu.memory_space<hbm>> -> memref<64x1024xf32, #tpu.memory_space<hbm>>
    %dma_start3A_4 = arith.constant 0 : i32
    %dma_start3A_5 = tpu.memref_slice %arg3[%mul3A_2, %dma_start3A_4] : memref<2048x1024xf32, #tpu.memory_space<hbm>> -> memref<64x1024xf32, #tpu.memory_space<hbm>>
    tpu.enqueue_dma source(%dma_start3A_5 : memref<64x1024xf32, #tpu.memory_space<hbm>>) target(%arg5 : memref<64x1024xf32, #tpu.memory_space<vmem>>) target_semaphore(%arg9 : memref<!tpu.dma_semaphore, #tpu.memory_space<semaphore_mem>>)
    %add3A_6 = arith.constant 0 : i32
    %add3A_7 = arith.addi %add3A_6, %mul3A_2 : i32
    %add3A_8 = arith.constant 0 : i32
    %add3A_9 = arith.addi %add3A_7, %add3A_8 : i32
    %dma_start3A_10 = arith.constant 0 : i32
    %dma_start3A_11 = tpu.memref_slice %arg2[%add3A_9, %dma_start3A_10] : memref<8192x1024xf32, #tpu.memory_space<hbm>> -> memref<16x1024xf32, #tpu.memory_space<hbm>>
    %dma_start3A_12 = arith.constant 0 : i32
    %dma_start3A_13 = tpu.memref_slice %arg2[%add3A_9, %dma_start3A_12] : memref<8192x1024xf32, #tpu.memory_space<hbm>> -> memref<16x1024xf32, #tpu.memory_space<hbm>>
    tpu.enqueue_dma source(%dma_start3A_13 : memref<16x1024xf32, #tpu.memory_space<hbm>>) target(%arg6 : memref<16x1024xf32, #tpu.memory_space<vmem>>) target_semaphore(%arg10 : memref<!tpu.dma_semaphore, #tpu.memory_space<semaphore_mem>>)
    %add3A_14 = arith.constant 0 : i32
    %add3A_15 = arith.addi %add3A_14, %mul3A_2 : i32
    %add3A_16 = arith.constant 16 : i32
    %add3A_17 = arith.addi %add3A_15, %add3A_16 : i32
    %dma_start3A_18 = arith.constant 0 : i32
    %dma_start3A_19 = tpu.memref_slice %arg2[%add3A_17, %dma_start3A_18] : memref<8192x1024xf32, #tpu.memory_space<hbm>> -> memref<16x1024xf32, #tpu.memory_space<hbm>>
    %dma_start3A_20 = arith.constant 0 : i32
    %dma_start3A_21 = tpu.memref_slice %arg2[%add3A_17, %dma_start3A_20] : memref<8192x1024xf32, #tpu.memory_space<hbm>> -> memref<16x1024xf32, #tpu.memory_space<hbm>>
    tpu.enqueue_dma source(%dma_start3A_21 : memref<16x1024xf32, #tpu.memory_space<hbm>>) target(%arg7 : memref<16x1024xf32, #tpu.memory_space<vmem>>) target_semaphore(%arg11 : memref<!tpu.dma_semaphore, #tpu.memory_space<semaphore_mem>>)
    %dma_wait3A = arith.constant 0 : i32
    %dma_wait3A_22 = tpu.memref_slice %arg3[%mul3A_2, %dma_wait3A] : memref<2048x1024xf32, #tpu.memory_space<hbm>> -> memref<64x1024xf32, #tpu.memory_space<hbm>>
    %dma_wait3A_23 = arith.constant 0 : i32
    %dma_wait3A_24 = tpu.memref_slice %arg3[%mul3A_2, %dma_wait3A_23] : memref<2048x1024xf32, #tpu.memory_space<hbm>> -> memref<64x1024xf32, #tpu.memory_space<hbm>>
    tpu.wait_dma2 semaphore(%arg9 : memref<!tpu.dma_semaphore, #tpu.memory_space<semaphore_mem>>) src(%dma_wait3A_24 : memref<64x1024xf32, #tpu.memory_space<hbm>>) dst(%arg5 : memref<64x1024xf32, #tpu.memory_space<vmem>>)
    %add3A_25 = arith.constant 0 : i32
    %add3A_26 = arith.addi %add3A_25, %mul3A_2 : i32
    %add3A_27 = arith.constant 32 : i32
    %add3A_28 = arith.addi %add3A_26, %add3A_27 : i32
    %dma_start3A_29 = arith.constant 0 : i32
    %dma_start3A_30 = tpu.memref_slice %arg2[%add3A_28, %dma_start3A_29] : memref<8192x1024xf32, #tpu.memory_space<hbm>> -> memref<16x1024xf32, #tpu.memory_space<hbm>>
    %dma_start3A_31 = arith.constant 0 : i32
    %dma_start3A_32 = tpu.memref_slice %arg2[%add3A_28, %dma_start3A_31] : memref<8192x1024xf32, #tpu.memory_space<hbm>> -> memref<16x1024xf32, #tpu.memory_space<hbm>>
    tpu.enqueue_dma source(%dma_start3A_32 : memref<16x1024xf32, #tpu.memory_space<hbm>>) target(%arg8 : memref<16x1024xf32, #tpu.memory_space<vmem>>) target_semaphore(%arg12 : memref<!tpu.dma_semaphore, #tpu.memory_space<semaphore_mem>>)
    %dma_wait3A_33 = arith.constant 0 : i32
    %dma_wait3A_34 = tpu.memref_slice %arg2[%add3A_9, %dma_wait3A_33] : memref<8192x1024xf32, #tpu.memory_space<hbm>> -> memref<16x1024xf32, #tpu.memory_space<hbm>>
    %dma_wait3A_35 = arith.constant 0 : i32
    %dma_wait3A_36 = tpu.memref_slice %arg2[%add3A_9, %dma_wait3A_35] : memref<8192x1024xf32, #tpu.memory_space<hbm>> -> memref<16x1024xf32, #tpu.memory_space<hbm>>
    tpu.wait_dma2 semaphore(%arg10 : memref<!tpu.dma_semaphore, #tpu.memory_space<semaphore_mem>>) src(%dma_wait3A_36 : memref<16x1024xf32, #tpu.memory_space<hbm>>) dst(%arg6 : memref<16x1024xf32, #tpu.memory_space<vmem>>)
    %parallel_loop3A = arith.constant 0 : i32
    %parallel_loop3A_37 = arith.constant 16384 : i32
    %parallel_loop3A_38 = arith.constant 16 : i32
    scf.for %parallel_loop3A_440 = %parallel_loop3A to %parallel_loop3A_37 step %parallel_loop3A_38  : i32 {
      %parallel_loop3A_441 = arith.constant 10 : i32
      %parallel_loop3A_442 = arith.shrui %parallel_loop3A_440, %parallel_loop3A_441 : i32
      %parallel_loop3A_443 = arith.constant 1023 : i32
      %parallel_loop3A_444 = arith.andi %parallel_loop3A_440, %parallel_loop3A_443 : i32
      %parallel_loop3A_445 = tpu.assume_multiple %parallel_loop3A_444, 16 : i32
      %parallel_loop3A_446 = arith.constant 0 : i32
      %parallel_loop3A_447 = arith.addi %parallel_loop3A_446, %parallel_loop3A_442 : i32
      %parallel_loop3A_448 = arith.index_cast %parallel_loop3A_447 : i32 to index
      %parallel_loop3A_449 = arith.index_cast %parallel_loop3A_445 : i32 to index
      %parallel_loop3A_450 = tpu.vector_load %arg5[%parallel_loop3A_448, %parallel_loop3A_449] {strides = array<i32>} : memref<64x1024xf32, #tpu.memory_space<vmem>>, vector<1x16xf32>,
      %parallel_loop3A_451 = vector.shape_cast %parallel_loop3A_450 : vector<1x16xf32> to vector<16xf32>
      %parallel_loop3A_452 = arith.index_cast %parallel_loop3A_442 : i32 to index
      %parallel_loop3A_453 = arith.index_cast %parallel_loop3A_445 : i32 to index
      %parallel_loop3A_454 = tpu.vector_load %arg6[%parallel_loop3A_452, %parallel_loop3A_453] {strides = array<i32>} : memref<16x1024xf32, #tpu.memory_space<vmem>>, vector<1x16xf32>,
      %parallel_loop3A_455 = vector.shape_cast %parallel_loop3A_454 : vector<1x16xf32> to vector<16xf32>
      %parallel_loop3A_456 = vector.shape_cast %parallel_loop3A_451 : vector<16xf32> to vector<1x16xf32>
      tpu.vector_store %arg6[%parallel_loop3A_452, %parallel_loop3A_453], %parallel_loop3A_456 {add = true, strides = array<i32>} : memref<16x1024xf32, #tpu.memory_space<vmem>>, vector<1x16xf32>,
    } {sc.loop_unroll_factor = 8 : i64, sc.parallel_access}
    %add3A_39 = arith.constant 0 : i32
    %add3A_40 = arith.addi %add3A_39, %mul3A_2 : i32
    %add3A_41 = arith.constant 0 : i32
    %add3A_42 = arith.addi %add3A_40, %add3A_41 : i32
    %dma_start3A_43 = arith.constant 0 : i32
    %dma_start3A_44 = tpu.memref_slice %arg4[%add3A_42, %dma_start3A_43] : memref<8192x1024xf32, #tpu.memory_space<hbm>> -> memref<16x1024xf32, #tpu.memory_space<hbm>>
    %dma_start3A_45 = arith.constant 0 : i32
    %dma_start3A_46 = tpu.memref_slice %arg4[%add3A_42, %dma_start3A_45] : memref<8192x1024xf32, #tpu.memory_space<hbm>> -> memref<16x1024xf32, #tpu.memory_space<hbm>>
    tpu.enqueue_dma source(%arg6 : memref<16x1024xf32, #tpu.memory_space<vmem>>) target(%dma_start3A_46 : memref<16x1024xf32, #tpu.memory_space<hbm>>) target_semaphore(%arg13 : memref<!tpu.dma_semaphore, #tpu.memory_space<semaphore_mem>>)
    %dma_wait3A_47 = arith.constant 0 : i32
    %dma_wait3A_48 = tpu.memref_slice %arg4[%add3A_42, %dma_wait3A_47] : memref<8192x1024xf32, #tpu.memory_space<hbm>> -> memref<16x1024xf32, #tpu.memory_space<hbm>>
    %dma_wait3A_49 = arith.constant 0 : i32
    %dma_wait3A_50 = tpu.memref_slice %arg4[%add3A_42, %dma_wait3A_49] : memref<8192x1024xf32, #tpu.memory_space<hbm>> -> memref<16x1024xf32, #tpu.memory_space<hbm>>
    tpu.wait_dma2 semaphore(%arg13 : memref<!tpu.dma_semaphore, #tpu.memory_space<semaphore_mem>>) src(%arg6 : memref<16x1024xf32, #tpu.memory_space<vmem>>) dst(%dma_wait3A_50 : memref<16x1024xf32, #tpu.memory_space<hbm>>)
    %add3A_51 = arith.constant 0 : i32
    %add3A_52 = arith.addi %add3A_51, %mul3A_2 : i32
    %add3A_53 = arith.constant 48 : i32
    %add3A_54 = arith.addi %add3A_52, %add3A_53 : i32
    %dma_start3A_55 = arith.constant 0 : i32
    %dma_start3A_56 = tpu.memref_slice %arg2[%add3A_54, %dma_start3A_55] : memref<8192x1024xf32, #tpu.memory_space<hbm>> -> memref<16x1024xf32, #tpu.memory_space<hbm>>
    %dma_start3A_57 = arith.constant 0 : i32
    %dma_start3A_58 = tpu.memref_slice %arg2[%add3A_54, %dma_start3A_57] : memref<8192x1024xf32, #tpu.memory_space<hbm>> -> memref<16x1024xf32, #tpu.memory_space<hbm>>
    tpu.enqueue_dma source(%dma_start3A_58 : memref<16x1024xf32, #tpu.memory_space<hbm>>) target(%arg6 : memref<16x1024xf32, #tpu.memory_space<vmem>>) target_semaphore(%arg10 : memref<!tpu.dma_semaphore, #tpu.memory_space<semaphore_mem>>)
    %dma_wait3A_59 = arith.constant 0 : i32
    %dma_wait3A_60 = tpu.memref_slice %arg2[%add3A_17, %dma_wait3A_59] : memref<8192x1024xf32, #tpu.memory_space<hbm>> -> memref<16x1024xf32, #tpu.memory_space<hbm>>
    %dma_wait3A_61 = arith.constant 0 : i32
    %dma_wait3A_62 = tpu.memref_slice %arg2[%add3A_17, %dma_wait3A_61] : memref<8192x1024xf32, #tpu.memory_space<hbm>> -> memref<16x1024xf32, #tpu.memory_space<hbm>>
    tpu.wait_dma2 semaphore(%arg11 : memref<!tpu.dma_semaphore, #tpu.memory_space<semaphore_mem>>) src(%dma_wait3A_62 : memref<16x1024xf32, #tpu.memory_space<hbm>>) dst(%arg7 : memref<16x1024xf32, #tpu.memory_space<vmem>>)
    %parallel_loop3A_63 = arith.constant 0 : i32
    %parallel_loop3A_64 = arith.constant 16384 : i32
    %parallel_loop3A_65 = arith.constant 16 : i32
    scf.for %parallel_loop3A_440 = %parallel_loop3A_63 to %parallel_loop3A_64 step %parallel_loop3A_65  : i32 {
      %parallel_loop3A_441 = arith.constant 10 : i32
      %parallel_loop3A_442 = arith.shrui %parallel_loop3A_440, %parallel_loop3A_441 : i32
      %parallel_loop3A_443 = arith.constant 1023 : i32
      %parallel_loop3A_444 = arith.andi %parallel_loop3A_440, %parallel_loop3A_443 : i32
      %parallel_loop3A_445 = tpu.assume_multiple %parallel_loop3A_444, 16 : i32
      %parallel_loop3A_446 = arith.constant 16 : i32
      %parallel_loop3A_447 = arith.addi %parallel_loop3A_446, %parallel_loop3A_442 : i32
      %parallel_loop3A_448 = arith.index_cast %parallel_loop3A_447 : i32 to index
      %parallel_loop3A_449 = arith.index_cast %parallel_loop3A_445 : i32 to index
      %parallel_loop3A_450 = tpu.vector_load %arg5[%parallel_loop3A_448, %parallel_loop3A_449] {strides = array<i32>} : memref<64x1024xf32, #tpu.memory_space<vmem>>, vector<1x16xf32>,
      %parallel_loop3A_451 = vector.shape_cast %parallel_loop3A_450 : vector<1x16xf32> to vector<16xf32>
      %parallel_loop3A_452 = arith.index_cast %parallel_loop3A_442 : i32 to index
      %parallel_loop3A_453 = arith.index_cast %parallel_loop3A_445 : i32 to index
      %parallel_loop3A_454 = tpu.vector_load %arg7[%parallel_loop3A_452, %parallel_loop3A_453] {strides = array<i32>} : memref<16x1024xf32, #tpu.memory_space<vmem>>, vector<1x16xf32>,
      %parallel_loop3A_455 = vector.shape_cast %parallel_loop3A_454 : vector<1x16xf32> to vector<16xf32>
      %parallel_loop3A_456 = vector.shape_cast %parallel_loop3A_451 : vector<16xf32> to vector<1x16xf32>
      tpu.vector_store %arg7[%parallel_loop3A_452, %parallel_loop3A_453], %parallel_loop3A_456 {add = true, strides = array<i32>} : memref<16x1024xf32, #tpu.memory_space<vmem>>, vector<1x16xf32>,
    } {sc.loop_unroll_factor = 8 : i64, sc.parallel_access}
    %add3A_66 = arith.constant 0 : i32
    %add3A_67 = arith.addi %add3A_66, %mul3A_2 : i32
    %add3A_68 = arith.constant 16 : i32
    %add3A_69 = arith.addi %add3A_67, %add3A_68 : i32
    %dma_start3A_70 = arith.constant 0 : i32
    %dma_start3A_71 = tpu.memref_slice %arg4[%add3A_69, %dma_start3A_70] : memref<8192x1024xf32, #tpu.memory_space<hbm>> -> memref<16x1024xf32, #tpu.memory_space<hbm>>
    %dma_start3A_72 = arith.constant 0 : i32
    %dma_start3A_73 = tpu.memref_slice %arg4[%add3A_69, %dma_start3A_72] : memref<8192x1024xf32, #tpu.memory_space<hbm>> -> memref<16x1024xf32, #tpu.memory_space<hbm>>
    tpu.enqueue_dma source(%arg7 : memref<16x1024xf32, #tpu.memory_space<vmem>>) target(%dma_start3A_73 : memref<16x1024xf32, #tpu.memory_space<hbm>>) target_semaphore(%arg14 : memref<!tpu.dma_semaphore, #tpu.memory_space<semaphore_mem>>)
    %dma_wait3A_74 = arith.constant 0 : i32
    %dma_wait3A_75 = tpu.memref_slice %arg4[%add3A_69, %dma_wait3A_74] : memref<8192x1024xf32, #tpu.memory_space<hbm>> -> memref<16x1024xf32, #tpu.memory_space<hbm>>
    %dma_wait3A_76 = arith.constant 0 : i32
    %dma_wait3A_77 = tpu.memref_slice %arg4[%add3A_69, %dma_wait3A_76] : memref<8192x1024xf32, #tpu.memory_space<hbm>> -> memref<16x1024xf32, #tpu.memory_space<hbm>>
    tpu.wait_dma2 semaphore(%arg14 : memref<!tpu.dma_semaphore, #tpu.memory_space<semaphore_mem>>) src(%arg7 : memref<16x1024xf32, #tpu.memory_space<vmem>>) dst(%dma_wait3A_77 : memref<16x1024xf32, #tpu.memory_space<hbm>>)
    %add3A_78 = arith.constant 2048 : i32
    %add3A_79 = arith.addi %add3A_78, %mul3A_2 : i32
    %add3A_80 = arith.constant 0 : i32
    %add3A_81 = arith.addi %add3A_79, %add3A_80 : i32
    %dma_start3A_82 = arith.constant 0 : i32
    %dma_start3A_83 = tpu.memref_slice %arg2[%add3A_81, %dma_start3A_82] : memref<8192x1024xf32, #tpu.memory_space<hbm>> -> memref<16x1024xf32, #tpu.memory_space<hbm>>
    %dma_start3A_84 = arith.constant 0 : i32
    %dma_start3A_85 = tpu.memref_slice %arg2[%add3A_81, %dma_start3A_84] : memref<8192x1024xf32, #tpu.memory_space<hbm>> -> memref<16x1024xf32, #tpu.memory_space<hbm>>
    tpu.enqueue_dma source(%dma_start3A_85 : memref<16x1024xf32, #tpu.memory_space<hbm>>) target(%arg7 : memref<16x1024xf32, #tpu.memory_space<vmem>>) target_semaphore(%arg11 : memref<!tpu.dma_semaphore, #tpu.memory_space<semaphore_mem>>)
    %dma_wait3A_86 = arith.constant 0 : i32
    %dma_wait3A_87 = tpu.memref_slice %arg2[%add3A_28, %dma_wait3A_86] : memref<8192x1024xf32, #tpu.memory_space<hbm>> -> memref<16x1024xf32, #tpu.memory_space<hbm>>
    %dma_wait3A_88 = arith.constant 0 : i32
    %dma_wait3A_89 = tpu.memref_slice %arg2[%add3A_28, %dma_wait3A_88] : memref<8192x1024xf32, #tpu.memory_space<hbm>> -> memref<16x1024xf32, #tpu.memory_space<hbm>>
    tpu.wait_dma2 semaphore(%arg12 : memref<!tpu.dma_semaphore, #tpu.memory_space<semaphore_mem>>) src(%dma_wait3A_89 : memref<16x1024xf32, #tpu.memory_space<hbm>>) dst(%arg8 : memref<16x1024xf32, #tpu.memory_space<vmem>>)
    %parallel_loop3A_90 = arith.constant 0 : i32
    %parallel_loop3A_91 = arith.constant 16384 : i32
    %parallel_loop3A_92 = arith.constant 16 : i32
    scf.for %parallel_loop3A_440 = %parallel_loop3A_90 to %parallel_loop3A_91 step %parallel_loop3A_92  : i32 {
      %parallel_loop3A_441 = arith.constant 10 : i32
      %parallel_loop3A_442 = arith.shrui %parallel_loop3A_440, %parallel_loop3A_441 : i32
      %parallel_loop3A_443 = arith.constant 1023 : i32
      %parallel_loop3A_444 = arith.andi %parallel_loop3A_440, %parallel_loop3A_443 : i32
      %parallel_loop3A_445 = tpu.assume_multiple %parallel_loop3A_444, 16 : i32
      %parallel_loop3A_446 = arith.constant 32 : i32
      %parallel_loop3A_447 = arith.addi %parallel_loop3A_446, %parallel_loop3A_442 : i32
      %parallel_loop3A_448 = arith.index_cast %parallel_loop3A_447 : i32 to index
      %parallel_loop3A_449 = arith.index_cast %parallel_loop3A_445 : i32 to index
      %parallel_loop3A_450 = tpu.vector_load %arg5[%parallel_loop3A_448, %parallel_loop3A_449] {strides = array<i32>} : memref<64x1024xf32, #tpu.memory_space<vmem>>, vector<1x16xf32>,
      %parallel_loop3A_451 = vector.shape_cast %parallel_loop3A_450 : vector<1x16xf32> to vector<16xf32>
      %parallel_loop3A_452 = arith.index_cast %parallel_loop3A_442 : i32 to index
      %parallel_loop3A_453 = arith.index_cast %parallel_loop3A_445 : i32 to index
      %parallel_loop3A_454 = tpu.vector_load %arg8[%parallel_loop3A_452, %parallel_loop3A_453] {strides = array<i32>} : memref<16x1024xf32, #tpu.memory_space<vmem>>, vector<1x16xf32>,
      %parallel_loop3A_455 = vector.shape_cast %parallel_loop3A_454 : vector<1x16xf32> to vector<16xf32>
      %parallel_loop3A_456 = vector.shape_cast %parallel_loop3A_451 : vector<16xf32> to vector<1x16xf32>
      tpu.vector_store %arg8[%parallel_loop3A_452, %parallel_loop3A_453], %parallel_loop3A_456 {add = true, strides = array<i32>} : memref<16x1024xf32, #tpu.memory_space<vmem>>, vector<1x16xf32>,
    } {sc.loop_unroll_factor = 8 : i64, sc.parallel_access}
    %add3A_93 = arith.constant 0 : i32
    %add3A_94 = arith.addi %add3A_93, %mul3A_2 : i32
    %add3A_95 = arith.constant 32 : i32
    %add3A_96 = arith.addi %add3A_94, %add3A_95 : i32
    %dma_start3A_97 = arith.constant 0 : i32
    %dma_start3A_98 = tpu.memref_slice %arg4[%add3A_96, %dma_start3A_97] : memref<8192x1024xf32, #tpu.memory_space<hbm>> -> memref<16x1024xf32, #tpu.memory_space<hbm>>
    %dma_start3A_99 = arith.constant 0 : i32
    %dma_start3A_100 = tpu.memref_slice %arg4[%add3A_96, %dma_start3A_99] : memref<8192x1024xf32, #tpu.memory_space<hbm>> -> memref<16x1024xf32, #tpu.memory_space<hbm>>
    tpu.enqueue_dma source(%arg8 : memref<16x1024xf32, #tpu.memory_space<vmem>>) target(%dma_start3A_100 : memref<16x1024xf32, #tpu.memory_space<hbm>>) target_semaphore(%arg15 : memref<!tpu.dma_semaphore, #tpu.memory_space<semaphore_mem>>)
    %dma_wait3A_101 = arith.constant 0 : i32
    %dma_wait3A_102 = tpu.memref_slice %arg4[%add3A_96, %dma_wait3A_101] : memref<8192x1024xf32, #tpu.memory_space<hbm>> -> memref<16x1024xf32, #tpu.memory_space<hbm>>
    %dma_wait3A_103 = arith.constant 0 : i32
    %dma_wait3A_104 = tpu.memref_slice %arg4[%add3A_96, %dma_wait3A_103] : memref<8192x1024xf32, #tpu.memory_space<hbm>> -> memref<16x1024xf32, #tpu.memory_space<hbm>>
    tpu.wait_dma2 semaphore(%arg15 : memref<!tpu.dma_semaphore, #tpu.memory_space<semaphore_mem>>) src(%arg8 : memref<16x1024xf32, #tpu.memory_space<vmem>>) dst(%dma_wait3A_104 : memref<16x1024xf32, #tpu.memory_space<hbm>>)
    %add3A_105 = arith.constant 2048 : i32
    %add3A_106 = arith.addi %add3A_105, %mul3A_2 : i32
    %add3A_107 = arith.constant 16 : i32
    %add3A_108 = arith.addi %add3A_106, %add3A_107 : i32
    %dma_start3A_109 = arith.constant 0 : i32
    %dma_start3A_110 = tpu.memref_slice %arg2[%add3A_108, %dma_start3A_109] : memref<8192x1024xf32, #tpu.memory_space<hbm>> -> memref<16x1024xf32, #tpu.memory_space<hbm>>
    %dma_start3A_111 = arith.constant 0 : i32
    %dma_start3A_112 = tpu.memref_slice %arg2[%add3A_108, %dma_start3A_111] : memref<8192x1024xf32, #tpu.memory_space<hbm>> -> memref<16x1024xf32, #tpu.memory_space<hbm>>
    tpu.enqueue_dma source(%dma_start3A_112 : memref<16x1024xf32, #tpu.memory_space<hbm>>) target(%arg8 : memref<16x1024xf32, #tpu.memory_space<vmem>>) target_semaphore(%arg12 : memref<!tpu.dma_semaphore, #tpu.memory_space<semaphore_mem>>)
    %dma_wait3A_113 = arith.constant 0 : i32
    %dma_wait3A_114 = tpu.memref_slice %arg2[%add3A_54, %dma_wait3A_113] : memref<8192x1024xf32, #tpu.memory_space<hbm>> -> memref<16x1024xf32, #tpu.memory_space<hbm>>
    %dma_wait3A_115 = arith.constant 0 : i32
    %dma_wait3A_116 = tpu.memref_slice %arg2[%add3A_54, %dma_wait3A_115] : memref<8192x1024xf32, #tpu.memory_space<hbm>> -> memref<16x1024xf32, #tpu.memory_space<hbm>>
    tpu.wait_dma2 semaphore(%arg10 : memref<!tpu.dma_semaphore, #tpu.memory_space<semaphore_mem>>) src(%dma_wait3A_116 : memref<16x1024xf32, #tpu.memory_space<hbm>>) dst(%arg6 : memref<16x1024xf32, #tpu.memory_space<vmem>>)
    %parallel_loop3A_117 = arith.constant 0 : i32
    %parallel_loop3A_118 = arith.constant 16384 : i32
    %parallel_loop3A_119 = arith.constant 16 : i32
    scf.for %parallel_loop3A_440 = %parallel_loop3A_117 to %parallel_loop3A_118 step %parallel_loop3A_119  : i32 {
      %parallel_loop3A_441 = arith.constant 10 : i32
      %parallel_loop3A_442 = arith.shrui %parallel_loop3A_440, %parallel_loop3A_441 : i32
      %parallel_loop3A_443 = arith.constant 1023 : i32
      %parallel_loop3A_444 = arith.andi %parallel_loop3A_440, %parallel_loop3A_443 : i32
      %parallel_loop3A_445 = tpu.assume_multiple %parallel_loop3A_444, 16 : i32
      %parallel_loop3A_446 = arith.constant 48 : i32
      %parallel_loop3A_447 = arith.addi %parallel_loop3A_446, %parallel_loop3A_442 : i32
      %parallel_loop3A_448 = arith.index_cast %parallel_loop3A_447 : i32 to index
      %parallel_loop3A_449 = arith.index_cast %parallel_loop3A_445 : i32 to index
      %parallel_loop3A_450 = tpu.vector_load %arg5[%parallel_loop3A_448, %parallel_loop3A_449] {strides = array<i32>} : memref<64x1024xf32, #tpu.memory_space<vmem>>, vector<1x16xf32>,
      %parallel_loop3A_451 = vector.shape_cast %parallel_loop3A_450 : vector<1x16xf32> to vector<16xf32>
      %parallel_loop3A_452 = arith.index_cast %parallel_loop3A_442 : i32 to index
      %parallel_loop3A_453 = arith.index_cast %parallel_loop3A_445 : i32 to index
      %parallel_loop3A_454 = tpu.vector_load %arg6[%parallel_loop3A_452, %parallel_loop3A_453] {strides = array<i32>} : memref<16x1024xf32, #tpu.memory_space<vmem>>, vector<1x16xf32>,
      %parallel_loop3A_455 = vector.shape_cast %parallel_loop3A_454 : vector<1x16xf32> to vector<16xf32>
      %parallel_loop3A_456 = vector.shape_cast %parallel_loop3A_451 : vector<16xf32> to vector<1x16xf32>
      tpu.vector_store %arg6[%parallel_loop3A_452, %parallel_loop3A_453], %parallel_loop3A_456 {add = true, strides = array<i32>} : memref<16x1024xf32, #tpu.memory_space<vmem>>, vector<1x16xf32>,
    } {sc.loop_unroll_factor = 8 : i64, sc.parallel_access}
    %add3A_120 = arith.constant 0 : i32
    %add3A_121 = arith.addi %add3A_120, %mul3A_2 : i32
    %add3A_122 = arith.constant 48 : i32
    %add3A_123 = arith.addi %add3A_121, %add3A_122 : i32
    %dma_start3A_124 = arith.constant 0 : i32
    %dma_start3A_125 = tpu.memref_slice %arg4[%add3A_123, %dma_start3A_124] : memref<8192x1024xf32, #tpu.memory_space<hbm>> -> memref<16x1024xf32, #tpu.memory_space<hbm>>
    %dma_start3A_126 = arith.constant 0 : i32
    %dma_start3A_127 = tpu.memref_slice %arg4[%add3A_123, %dma_start3A_126] : memref<8192x1024xf32, #tpu.memory_space<hbm>> -> memref<16x1024xf32, #tpu.memory_space<hbm>>
    tpu.enqueue_dma source(%arg6 : memref<16x1024xf32, #tpu.memory_space<vmem>>) target(%dma_start3A_127 : memref<16x1024xf32, #tpu.memory_space<hbm>>) target_semaphore(%arg13 : memref<!tpu.dma_semaphore, #tpu.memory_space<semaphore_mem>>)
    %dma_wait3A_128 = arith.constant 0 : i32
    %dma_wait3A_129 = tpu.memref_slice %arg4[%add3A_123, %dma_wait3A_128] : memref<8192x1024xf32, #tpu.memory_space<hbm>> -> memref<16x1024xf32, #tpu.memory_space<hbm>>
    %dma_wait3A_130 = arith.constant 0 : i32
    %dma_wait3A_131 = tpu.memref_slice %arg4[%add3A_123, %dma_wait3A_130] : memref<8192x1024xf32, #tpu.memory_space<hbm>> -> memref<16x1024xf32, #tpu.memory_space<hbm>>
    tpu.wait_dma2 semaphore(%arg13 : memref<!tpu.dma_semaphore, #tpu.memory_space<semaphore_mem>>) src(%arg6 : memref<16x1024xf32, #tpu.memory_space<vmem>>) dst(%dma_wait3A_131 : memref<16x1024xf32, #tpu.memory_space<hbm>>)
    %add3A_132 = arith.constant 2048 : i32
    %add3A_133 = arith.addi %add3A_132, %mul3A_2 : i32
    %add3A_134 = arith.constant 32 : i32
    %add3A_135 = arith.addi %add3A_133, %add3A_134 : i32
    %dma_start3A_136 = arith.constant 0 : i32
    %dma_start3A_137 = tpu.memref_slice %arg2[%add3A_135, %dma_start3A_136] : memref<8192x1024xf32, #tpu.memory_space<hbm>> -> memref<16x1024xf32, #tpu.memory_space<hbm>>
    %dma_start3A_138 = arith.constant 0 : i32
    %dma_start3A_139 = tpu.memref_slice %arg2[%add3A_135, %dma_start3A_138] : memref<8192x1024xf32, #tpu.memory_space<hbm>> -> memref<16x1024xf32, #tpu.memory_space<hbm>>
    tpu.enqueue_dma source(%dma_start3A_139 : memref<16x1024xf32, #tpu.memory_space<hbm>>) target(%arg6 : memref<16x1024xf32, #tpu.memory_space<vmem>>) target_semaphore(%arg10 : memref<!tpu.dma_semaphore, #tpu.memory_space<semaphore_mem>>)
    %dma_wait3A_140 = arith.constant 0 : i32
    %dma_wait3A_141 = tpu.memref_slice %arg2[%add3A_81, %dma_wait3A_140] : memref<8192x1024xf32, #tpu.memory_space<hbm>> -> memref<16x1024xf32, #tpu.memory_space<hbm>>
    %dma_wait3A_142 = arith.constant 0 : i32
    %dma_wait3A_143 = tpu.memref_slice %arg2[%add3A_81, %dma_wait3A_142] : memref<8192x1024xf32, #tpu.memory_space<hbm>> -> memref<16x1024xf32, #tpu.memory_space<hbm>>
    tpu.wait_dma2 semaphore(%arg11 : memref<!tpu.dma_semaphore, #tpu.memory_space<semaphore_mem>>) src(%dma_wait3A_143 : memref<16x1024xf32, #tpu.memory_space<hbm>>) dst(%arg7 : memref<16x1024xf32, #tpu.memory_space<vmem>>)
    %parallel_loop3A_144 = arith.constant 0 : i32
    %parallel_loop3A_145 = arith.constant 16384 : i32
    %parallel_loop3A_146 = arith.constant 16 : i32
    scf.for %parallel_loop3A_440 = %parallel_loop3A_144 to %parallel_loop3A_145 step %parallel_loop3A_146  : i32 {
      %parallel_loop3A_441 = arith.constant 10 : i32
      %parallel_loop3A_442 = arith.shrui %parallel_loop3A_440, %parallel_loop3A_441 : i32
      %parallel_loop3A_443 = arith.constant 1023 : i32
      %parallel_loop3A_444 = arith.andi %parallel_loop3A_440, %parallel_loop3A_443 : i32
      %parallel_loop3A_445 = tpu.assume_multiple %parallel_loop3A_444, 16 : i32
      %parallel_loop3A_446 = arith.constant 0 : i32
      %parallel_loop3A_447 = arith.addi %parallel_loop3A_446, %parallel_loop3A_442 : i32
      %parallel_loop3A_448 = arith.index_cast %parallel_loop3A_447 : i32 to index
      %parallel_loop3A_449 = arith.index_cast %parallel_loop3A_445 : i32 to index
      %parallel_loop3A_450 = tpu.vector_load %arg5[%parallel_loop3A_448, %parallel_loop3A_449] {strides = array<i32>} : memref<64x1024xf32, #tpu.memory_space<vmem>>, vector<1x16xf32>,
      %parallel_loop3A_451 = vector.shape_cast %parallel_loop3A_450 : vector<1x16xf32> to vector<16xf32>
      %parallel_loop3A_452 = arith.index_cast %parallel_loop3A_442 : i32 to index
      %parallel_loop3A_453 = arith.index_cast %parallel_loop3A_445 : i32 to index
      %parallel_loop3A_454 = tpu.vector_load %arg7[%parallel_loop3A_452, %parallel_loop3A_453] {strides = array<i32>} : memref<16x1024xf32, #tpu.memory_space<vmem>>, vector<1x16xf32>,
      %parallel_loop3A_455 = vector.shape_cast %parallel_loop3A_454 : vector<1x16xf32> to vector<16xf32>
      %parallel_loop3A_456 = vector.shape_cast %parallel_loop3A_451 : vector<16xf32> to vector<1x16xf32>
      tpu.vector_store %arg7[%parallel_loop3A_452, %parallel_loop3A_453], %parallel_loop3A_456 {add = true, strides = array<i32>} : memref<16x1024xf32, #tpu.memory_space<vmem>>, vector<1x16xf32>,
    } {sc.loop_unroll_factor = 8 : i64, sc.parallel_access}
    %add3A_147 = arith.constant 2048 : i32
    %add3A_148 = arith.addi %add3A_147, %mul3A_2 : i32
    %add3A_149 = arith.constant 0 : i32
    %add3A_150 = arith.addi %add3A_148, %add3A_149 : i32
    %dma_start3A_151 = arith.constant 0 : i32
    %dma_start3A_152 = tpu.memref_slice %arg4[%add3A_150, %dma_start3A_151] : memref<8192x1024xf32, #tpu.memory_space<hbm>> -> memref<16x1024xf32, #tpu.memory_space<hbm>>
    %dma_start3A_153 = arith.constant 0 : i32
    %dma_start3A_154 = tpu.memref_slice %arg4[%add3A_150, %dma_start3A_153] : memref<8192x1024xf32, #tpu.memory_space<hbm>> -> memref<16x1024xf32, #tpu.memory_space<hbm>>
    tpu.enqueue_dma source(%arg7 : memref<16x1024xf32, #tpu.memory_space<vmem>>) target(%dma_start3A_154 : memref<16x1024xf32, #tpu.memory_space<hbm>>) target_semaphore(%arg14 : memref<!tpu.dma_semaphore, #tpu.memory_space<semaphore_mem>>)
    %dma_wait3A_155 = arith.constant 0 : i32
    %dma_wait3A_156 = tpu.memref_slice %arg4[%add3A_150, %dma_wait3A_155] : memref<8192x1024xf32, #tpu.memory_space<hbm>> -> memref<16x1024xf32, #tpu.memory_space<hbm>>
    %dma_wait3A_157 = arith.constant 0 : i32
    %dma_wait3A_158 = tpu.memref_slice %arg4[%add3A_150, %dma_wait3A_157] : memref<8192x1024xf32, #tpu.memory_space<hbm>> -> memref<16x1024xf32, #tpu.memory_space<hbm>>
    tpu.wait_dma2 semaphore(%arg14 : memref<!tpu.dma_semaphore, #tpu.memory_space<semaphore_mem>>) src(%arg7 : memref<16x1024xf32, #tpu.memory_space<vmem>>) dst(%dma_wait3A_158 : memref<16x1024xf32, #tpu.memory_space<hbm>>)
    %add3A_159 = arith.constant 2048 : i32
    %add3A_160 = arith.addi %add3A_159, %mul3A_2 : i32
    %add3A_161 = arith.constant 48 : i32
    %add3A_162 = arith.addi %add3A_160, %add3A_161 : i32
    %dma_start3A_163 = arith.constant 0 : i32
    %dma_start3A_164 = tpu.memref_slice %arg2[%add3A_162, %dma_start3A_163] : memref<8192x1024xf32, #tpu.memory_space<hbm>> -> memref<16x1024xf32, #tpu.memory_space<hbm>>
    %dma_start3A_165 = arith.constant 0 : i32
    %dma_start3A_166 = tpu.memref_slice %arg2[%add3A_162, %dma_start3A_165] : memref<8192x1024xf32, #tpu.memory_space<hbm>> -> memref<16x1024xf32, #tpu.memory_space<hbm>>
    tpu.enqueue_dma source(%dma_start3A_166 : memref<16x1024xf32, #tpu.memory_space<hbm>>) target(%arg7 : memref<16x1024xf32, #tpu.memory_space<vmem>>) target_semaphore(%arg11 : memref<!tpu.dma_semaphore, #tpu.memory_space<semaphore_mem>>)
    %dma_wait3A_167 = arith.constant 0 : i32
    %dma_wait3A_168 = tpu.memref_slice %arg2[%add3A_108, %dma_wait3A_167] : memref<8192x1024xf32, #tpu.memory_space<hbm>> -> memref<16x1024xf32, #tpu.memory_space<hbm>>
    %dma_wait3A_169 = arith.constant 0 : i32
    %dma_wait3A_170 = tpu.memref_slice %arg2[%add3A_108, %dma_wait3A_169] : memref<8192x1024xf32, #tpu.memory_space<hbm>> -> memref<16x1024xf32, #tpu.memory_space<hbm>>
    tpu.wait_dma2 semaphore(%arg12 : memref<!tpu.dma_semaphore, #tpu.memory_space<semaphore_mem>>) src(%dma_wait3A_170 : memref<16x1024xf32, #tpu.memory_space<hbm>>) dst(%arg8 : memref<16x1024xf32, #tpu.memory_space<vmem>>)
    %parallel_loop3A_171 = arith.constant 0 : i32
    %parallel_loop3A_172 = arith.constant 16384 : i32
    %parallel_loop3A_173 = arith.constant 16 : i32
    scf.for %parallel_loop3A_440 = %parallel_loop3A_171 to %parallel_loop3A_172 step %parallel_loop3A_173  : i32 {
      %parallel_loop3A_441 = arith.constant 10 : i32
      %parallel_loop3A_442 = arith.shrui %parallel_loop3A_440, %parallel_loop3A_441 : i32
      %parallel_loop3A_443 = arith.constant 1023 : i32
      %parallel_loop3A_444 = arith.andi %parallel_loop3A_440, %parallel_loop3A_443 : i32
      %parallel_loop3A_445 = tpu.assume_multiple %parallel_loop3A_444, 16 : i32
      %parallel_loop3A_446 = arith.constant 16 : i32
      %parallel_loop3A_447 = arith.addi %parallel_loop3A_446, %parallel_loop3A_442 : i32
      %parallel_loop3A_448 = arith.index_cast %parallel_loop3A_447 : i32 to index
      %parallel_loop3A_449 = arith.index_cast %parallel_loop3A_445 : i32 to index
      %parallel_loop3A_450 = tpu.vector_load %arg5[%parallel_loop3A_448, %parallel_loop3A_449] {strides = array<i32>} : memref<64x1024xf32, #tpu.memory_space<vmem>>, vector<1x16xf32>,
      %parallel_loop3A_451 = vector.shape_cast %parallel_loop3A_450 : vector<1x16xf32> to vector<16xf32>
      %parallel_loop3A_452 = arith.index_cast %parallel_loop3A_442 : i32 to index
      %parallel_loop3A_453 = arith.index_cast %parallel_loop3A_445 : i32 to index
      %parallel_loop3A_454 = tpu.vector_load %arg8[%parallel_loop3A_452, %parallel_loop3A_453] {strides = array<i32>} : memref<16x1024xf32, #tpu.memory_space<vmem>>, vector<1x16xf32>,
      %parallel_loop3A_455 = vector.shape_cast %parallel_loop3A_454 : vector<1x16xf32> to vector<16xf32>
      %parallel_loop3A_456 = vector.shape_cast %parallel_loop3A_451 : vector<16xf32> to vector<1x16xf32>
      tpu.vector_store %arg8[%parallel_loop3A_452, %parallel_loop3A_453], %parallel_loop3A_456 {add = true, strides = array<i32>} : memref<16x1024xf32, #tpu.memory_space<vmem>>, vector<1x16xf32>,
    } {sc.loop_unroll_factor = 8 : i64, sc.parallel_access}
    %add3A_174 = arith.constant 2048 : i32
    %add3A_175 = arith.addi %add3A_174, %mul3A_2 : i32
    %add3A_176 = arith.constant 16 : i32
    %add3A_177 = arith.addi %add3A_175, %add3A_176 : i32
    %dma_start3A_178 = arith.constant 0 : i32
    %dma_start3A_179 = tpu.memref_slice %arg4[%add3A_177, %dma_start3A_178] : memref<8192x1024xf32, #tpu.memory_space<hbm>> -> memref<16x1024xf32, #tpu.memory_space<hbm>>
    %dma_start3A_180 = arith.constant 0 : i32
    %dma_start3A_181 = tpu.memref_slice %arg4[%add3A_177, %dma_start3A_180] : memref<8192x1024xf32, #tpu.memory_space<hbm>> -> memref<16x1024xf32, #tpu.memory_space<hbm>>
    tpu.enqueue_dma source(%arg8 : memref<16x1024xf32, #tpu.memory_space<vmem>>) target(%dma_start3A_181 : memref<16x1024xf32, #tpu.memory_space<hbm>>) target_semaphore(%arg15 : memref<!tpu.dma_semaphore, #tpu.memory_space<semaphore_mem>>)
    %dma_wait3A_182 = arith.constant 0 : i32
    %dma_wait3A_183 = tpu.memref_slice %arg4[%add3A_177, %dma_wait3A_182] : memref<8192x1024xf32, #tpu.memory_space<hbm>> -> memref<16x1024xf32, #tpu.memory_space<hbm>>
    %dma_wait3A_184 = arith.constant 0 : i32
    %dma_wait3A_185 = tpu.memref_slice %arg4[%add3A_177, %dma_wait3A_184] : memref<8192x1024xf32, #tpu.memory_space<hbm>> -> memref<16x1024xf32, #tpu.memory_space<hbm>>
    tpu.wait_dma2 semaphore(%arg15 : memref<!tpu.dma_semaphore, #tpu.memory_space<semaphore_mem>>) src(%arg8 : memref<16x1024xf32, #tpu.memory_space<vmem>>) dst(%dma_wait3A_185 : memref<16x1024xf32, #tpu.memory_space<hbm>>)
    %add3A_186 = arith.constant 4096 : i32
    %add3A_187 = arith.addi %add3A_186, %mul3A_2 : i32
    %add3A_188 = arith.constant 0 : i32
    %add3A_189 = arith.addi %add3A_187, %add3A_188 : i32
    %dma_start3A_190 = arith.constant 0 : i32
    %dma_start3A_191 = tpu.memref_slice %arg2[%add3A_189, %dma_start3A_190] : memref<8192x1024xf32, #tpu.memory_space<hbm>> -> memref<16x1024xf32, #tpu.memory_space<hbm>>
    %dma_start3A_192 = arith.constant 0 : i32
    %dma_start3A_193 = tpu.memref_slice %arg2[%add3A_189, %dma_start3A_192] : memref<8192x1024xf32, #tpu.memory_space<hbm>> -> memref<16x1024xf32, #tpu.memory_space<hbm>>
    tpu.enqueue_dma source(%dma_start3A_193 : memref<16x1024xf32, #tpu.memory_space<hbm>>) target(%arg8 : memref<16x1024xf32, #tpu.memory_space<vmem>>) target_semaphore(%arg12 : memref<!tpu.dma_semaphore, #tpu.memory_space<semaphore_mem>>)
    %dma_wait3A_194 = arith.constant 0 : i32
    %dma_wait3A_195 = tpu.memref_slice %arg2[%add3A_135, %dma_wait3A_194] : memref<8192x1024xf32, #tpu.memory_space<hbm>> -> memref<16x1024xf32, #tpu.memory_space<hbm>>
    %dma_wait3A_196 = arith.constant 0 : i32
    %dma_wait3A_197 = tpu.memref_slice %arg2[%add3A_135, %dma_wait3A_196] : memref<8192x1024xf32, #tpu.memory_space<hbm>> -> memref<16x1024xf32, #tpu.memory_space<hbm>>
    tpu.wait_dma2 semaphore(%arg10 : memref<!tpu.dma_semaphore, #tpu.memory_space<semaphore_mem>>) src(%dma_wait3A_197 : memref<16x1024xf32, #tpu.memory_space<hbm>>) dst(%arg6 : memref<16x1024xf32, #tpu.memory_space<vmem>>)
    %parallel_loop3A_198 = arith.constant 0 : i32
    %parallel_loop3A_199 = arith.constant 16384 : i32
    %parallel_loop3A_200 = arith.constant 16 : i32
    scf.for %parallel_loop3A_440 = %parallel_loop3A_198 to %parallel_loop3A_199 step %parallel_loop3A_200  : i32 {
      %parallel_loop3A_441 = arith.constant 10 : i32
      %parallel_loop3A_442 = arith.shrui %parallel_loop3A_440, %parallel_loop3A_441 : i32
      %parallel_loop3A_443 = arith.constant 1023 : i32
      %parallel_loop3A_444 = arith.andi %parallel_loop3A_440, %parallel_loop3A_443 : i32
      %parallel_loop3A_445 = tpu.assume_multiple %parallel_loop3A_444, 16 : i32
      %parallel_loop3A_446 = arith.constant 32 : i32
      %parallel_loop3A_447 = arith.addi %parallel_loop3A_446, %parallel_loop3A_442 : i32
      %parallel_loop3A_448 = arith.index_cast %parallel_loop3A_447 : i32 to index
      %parallel_loop3A_449 = arith.index_cast %parallel_loop3A_445 : i32 to index
      %parallel_loop3A_450 = tpu.vector_load %arg5[%parallel_loop3A_448, %parallel_loop3A_449] {strides = array<i32>} : memref<64x1024xf32, #tpu.memory_space<vmem>>, vector<1x16xf32>,
      %parallel_loop3A_451 = vector.shape_cast %parallel_loop3A_450 : vector<1x16xf32> to vector<16xf32>
      %parallel_loop3A_452 = arith.index_cast %parallel_loop3A_442 : i32 to index
      %parallel_loop3A_453 = arith.index_cast %parallel_loop3A_445 : i32 to index
      %parallel_loop3A_454 = tpu.vector_load %arg6[%parallel_loop3A_452, %parallel_loop3A_453] {strides = array<i32>} : memref<16x1024xf32, #tpu.memory_space<vmem>>, vector<1x16xf32>,
      %parallel_loop3A_455 = vector.shape_cast %parallel_loop3A_454 : vector<1x16xf32> to vector<16xf32>
      %parallel_loop3A_456 = vector.shape_cast %parallel_loop3A_451 : vector<16xf32> to vector<1x16xf32>
      tpu.vector_store %arg6[%parallel_loop3A_452, %parallel_loop3A_453], %parallel_loop3A_456 {add = true, strides = array<i32>} : memref<16x1024xf32, #tpu.memory_space<vmem>>, vector<1x16xf32>,
    } {sc.loop_unroll_factor = 8 : i64, sc.parallel_access}
    %add3A_201 = arith.constant 2048 : i32
    %add3A_202 = arith.addi %add3A_201, %mul3A_2 : i32
    %add3A_203 = arith.constant 32 : i32
    %add3A_204 = arith.addi %add3A_202, %add3A_203 : i32
    %dma_start3A_205 = arith.constant 0 : i32
    %dma_start3A_206 = tpu.memref_slice %arg4[%add3A_204, %dma_start3A_205] : memref<8192x1024xf32, #tpu.memory_space<hbm>> -> memref<16x1024xf32, #tpu.memory_space<hbm>>
    %dma_start3A_207 = arith.constant 0 : i32
    %dma_start3A_208 = tpu.memref_slice %arg4[%add3A_204, %dma_start3A_207] : memref<8192x1024xf32, #tpu.memory_space<hbm>> -> memref<16x1024xf32, #tpu.memory_space<hbm>>
    tpu.enqueue_dma source(%arg6 : memref<16x1024xf32, #tpu.memory_space<vmem>>) target(%dma_start3A_208 : memref<16x1024xf32, #tpu.memory_space<hbm>>) target_semaphore(%arg13 : memref<!tpu.dma_semaphore, #tpu.memory_space<semaphore_mem>>)
    %dma_wait3A_209 = arith.constant 0 : i32
    %dma_wait3A_210 = tpu.memref_slice %arg4[%add3A_204, %dma_wait3A_209] : memref<8192x1024xf32, #tpu.memory_space<hbm>> -> memref<16x1024xf32, #tpu.memory_space<hbm>>
    %dma_wait3A_211 = arith.constant 0 : i32
    %dma_wait3A_212 = tpu.memref_slice %arg4[%add3A_204, %dma_wait3A_211] : memref<8192x1024xf32, #tpu.memory_space<hbm>> -> memref<16x1024xf32, #tpu.memory_space<hbm>>
    tpu.wait_dma2 semaphore(%arg13 : memref<!tpu.dma_semaphore, #tpu.memory_space<semaphore_mem>>) src(%arg6 : memref<16x1024xf32, #tpu.memory_space<vmem>>) dst(%dma_wait3A_212 : memref<16x1024xf32, #tpu.memory_space<hbm>>)
    %add3A_213 = arith.constant 4096 : i32
    %add3A_214 = arith.addi %add3A_213, %mul3A_2 : i32
    %add3A_215 = arith.constant 16 : i32
    %add3A_216 = arith.addi %add3A_214, %add3A_215 : i32
    %dma_start3A_217 = arith.constant 0 : i32
    %dma_start3A_218 = tpu.memref_slice %arg2[%add3A_216, %dma_start3A_217] : memref<8192x1024xf32, #tpu.memory_space<hbm>> -> memref<16x1024xf32, #tpu.memory_space<hbm>>
    %dma_start3A_219 = arith.constant 0 : i32
    %dma_start3A_220 = tpu.memref_slice %arg2[%add3A_216, %dma_start3A_219] : memref<8192x1024xf32, #tpu.memory_space<hbm>> -> memref<16x1024xf32, #tpu.memory_space<hbm>>
    tpu.enqueue_dma source(%dma_start3A_220 : memref<16x1024xf32, #tpu.memory_space<hbm>>) target(%arg6 : memref<16x1024xf32, #tpu.memory_space<vmem>>) target_semaphore(%arg10 : memref<!tpu.dma_semaphore, #tpu.memory_space<semaphore_mem>>)
    %dma_wait3A_221 = arith.constant 0 : i32
    %dma_wait3A_222 = tpu.memref_slice %arg2[%add3A_162, %dma_wait3A_221] : memref<8192x1024xf32, #tpu.memory_space<hbm>> -> memref<16x1024xf32, #tpu.memory_space<hbm>>
    %dma_wait3A_223 = arith.constant 0 : i32
    %dma_wait3A_224 = tpu.memref_slice %arg2[%add3A_162, %dma_wait3A_223] : memref<8192x1024xf32, #tpu.memory_space<hbm>> -> memref<16x1024xf32, #tpu.memory_space<hbm>>
    tpu.wait_dma2 semaphore(%arg11 : memref<!tpu.dma_semaphore, #tpu.memory_space<semaphore_mem>>) src(%dma_wait3A_224 : memref<16x1024xf32, #tpu.memory_space<hbm>>) dst(%arg7 : memref<16x1024xf32, #tpu.memory_space<vmem>>)
    %parallel_loop3A_225 = arith.constant 0 : i32
    %parallel_loop3A_226 = arith.constant 16384 : i32
    %parallel_loop3A_227 = arith.constant 16 : i32
    scf.for %parallel_loop3A_440 = %parallel_loop3A_225 to %parallel_loop3A_226 step %parallel_loop3A_227  : i32 {
      %parallel_loop3A_441 = arith.constant 10 : i32
      %parallel_loop3A_442 = arith.shrui %parallel_loop3A_440, %parallel_loop3A_441 : i32
      %parallel_loop3A_443 = arith.constant 1023 : i32
      %parallel_loop3A_444 = arith.andi %parallel_loop3A_440, %parallel_loop3A_443 : i32
      %parallel_loop3A_445 = tpu.assume_multiple %parallel_loop3A_444, 16 : i32
      %parallel_loop3A_446 = arith.constant 48 : i32
      %parallel_loop3A_447 = arith.addi %parallel_loop3A_446, %parallel_loop3A_442 : i32
      %parallel_loop3A_448 = arith.index_cast %parallel_loop3A_447 : i32 to index
      %parallel_loop3A_449 = arith.index_cast %parallel_loop3A_445 : i32 to index
      %parallel_loop3A_450 = tpu.vector_load %arg5[%parallel_loop3A_448, %parallel_loop3A_449] {strides = array<i32>} : memref<64x1024xf32, #tpu.memory_space<vmem>>, vector<1x16xf32>,
      %parallel_loop3A_451 = vector.shape_cast %parallel_loop3A_450 : vector<1x16xf32> to vector<16xf32>
      %parallel_loop3A_452 = arith.index_cast %parallel_loop3A_442 : i32 to index
      %parallel_loop3A_453 = arith.index_cast %parallel_loop3A_445 : i32 to index
      %parallel_loop3A_454 = tpu.vector_load %arg7[%parallel_loop3A_452, %parallel_loop3A_453] {strides = array<i32>} : memref<16x1024xf32, #tpu.memory_space<vmem>>, vector<1x16xf32>,
      %parallel_loop3A_455 = vector.shape_cast %parallel_loop3A_454 : vector<1x16xf32> to vector<16xf32>
      %parallel_loop3A_456 = vector.shape_cast %parallel_loop3A_451 : vector<16xf32> to vector<1x16xf32>
      tpu.vector_store %arg7[%parallel_loop3A_452, %parallel_loop3A_453], %parallel_loop3A_456 {add = true, strides = array<i32>} : memref<16x1024xf32, #tpu.memory_space<vmem>>, vector<1x16xf32>,
    } {sc.loop_unroll_factor = 8 : i64, sc.parallel_access}
    %add3A_228 = arith.constant 2048 : i32
    %add3A_229 = arith.addi %add3A_228, %mul3A_2 : i32
    %add3A_230 = arith.constant 48 : i32
    %add3A_231 = arith.addi %add3A_229, %add3A_230 : i32
    %dma_start3A_232 = arith.constant 0 : i32
    %dma_start3A_233 = tpu.memref_slice %arg4[%add3A_231, %dma_start3A_232] : memref<8192x1024xf32, #tpu.memory_space<hbm>> -> memref<16x1024xf32, #tpu.memory_space<hbm>>
    %dma_start3A_234 = arith.constant 0 : i32
    %dma_start3A_235 = tpu.memref_slice %arg4[%add3A_231, %dma_start3A_234] : memref<8192x1024xf32, #tpu.memory_space<hbm>> -> memref<16x1024xf32, #tpu.memory_space<hbm>>
    tpu.enqueue_dma source(%arg7 : memref<16x1024xf32, #tpu.memory_space<vmem>>) target(%dma_start3A_235 : memref<16x1024xf32, #tpu.memory_space<hbm>>) target_semaphore(%arg14 : memref<!tpu.dma_semaphore, #tpu.memory_space<semaphore_mem>>)
    %dma_wait3A_236 = arith.constant 0 : i32
    %dma_wait3A_237 = tpu.memref_slice %arg4[%add3A_231, %dma_wait3A_236] : memref<8192x1024xf32, #tpu.memory_space<hbm>> -> memref<16x1024xf32, #tpu.memory_space<hbm>>
    %dma_wait3A_238 = arith.constant 0 : i32
    %dma_wait3A_239 = tpu.memref_slice %arg4[%add3A_231, %dma_wait3A_238] : memref<8192x1024xf32, #tpu.memory_space<hbm>> -> memref<16x1024xf32, #tpu.memory_space<hbm>>
    tpu.wait_dma2 semaphore(%arg14 : memref<!tpu.dma_semaphore, #tpu.memory_space<semaphore_mem>>) src(%arg7 : memref<16x1024xf32, #tpu.memory_space<vmem>>) dst(%dma_wait3A_239 : memref<16x1024xf32, #tpu.memory_space<hbm>>)
    %add3A_240 = arith.constant 4096 : i32
    %add3A_241 = arith.addi %add3A_240, %mul3A_2 : i32
    %add3A_242 = arith.constant 32 : i32
    %add3A_243 = arith.addi %add3A_241, %add3A_242 : i32
    %dma_start3A_244 = arith.constant 0 : i32
    %dma_start3A_245 = tpu.memref_slice %arg2[%add3A_243, %dma_start3A_244] : memref<8192x1024xf32, #tpu.memory_space<hbm>> -> memref<16x1024xf32, #tpu.memory_space<hbm>>
    %dma_start3A_246 = arith.constant 0 : i32
    %dma_start3A_247 = tpu.memref_slice %arg2[%add3A_243, %dma_start3A_246] : memref<8192x1024xf32, #tpu.memory_space<hbm>> -> memref<16x1024xf32, #tpu.memory_space<hbm>>
    tpu.enqueue_dma source(%dma_start3A_247 : memref<16x1024xf32, #tpu.memory_space<hbm>>) target(%arg7 : memref<16x1024xf32, #tpu.memory_space<vmem>>) target_semaphore(%arg11 : memref<!tpu.dma_semaphore, #tpu.memory_space<semaphore_mem>>)
    %dma_wait3A_248 = arith.constant 0 : i32
    %dma_wait3A_249 = tpu.memref_slice %arg2[%add3A_189, %dma_wait3A_248] : memref<8192x1024xf32, #tpu.memory_space<hbm>> -> memref<16x1024xf32, #tpu.memory_space<hbm>>
    %dma_wait3A_250 = arith.constant 0 : i32
    %dma_wait3A_251 = tpu.memref_slice %arg2[%add3A_189, %dma_wait3A_250] : memref<8192x1024xf32, #tpu.memory_space<hbm>> -> memref<16x1024xf32, #tpu.memory_space<hbm>>
    tpu.wait_dma2 semaphore(%arg12 : memref<!tpu.dma_semaphore, #tpu.memory_space<semaphore_mem>>) src(%dma_wait3A_251 : memref<16x1024xf32, #tpu.memory_space<hbm>>) dst(%arg8 : memref<16x1024xf32, #tpu.memory_space<vmem>>)
    %parallel_loop3A_252 = arith.constant 0 : i32
    %parallel_loop3A_253 = arith.constant 16384 : i32
    %parallel_loop3A_254 = arith.constant 16 : i32
    scf.for %parallel_loop3A_440 = %parallel_loop3A_252 to %parallel_loop3A_253 step %parallel_loop3A_254  : i32 {
      %parallel_loop3A_441 = arith.constant 10 : i32
      %parallel_loop3A_442 = arith.shrui %parallel_loop3A_440, %parallel_loop3A_441 : i32
      %parallel_loop3A_443 = arith.constant 1023 : i32
      %parallel_loop3A_444 = arith.andi %parallel_loop3A_440, %parallel_loop3A_443 : i32
      %parallel_loop3A_445 = tpu.assume_multiple %parallel_loop3A_444, 16 : i32
      %parallel_loop3A_446 = arith.constant 0 : i32
      %parallel_loop3A_447 = arith.addi %parallel_loop3A_446, %parallel_loop3A_442 : i32
      %parallel_loop3A_448 = arith.index_cast %parallel_loop3A_447 : i32 to index
      %parallel_loop3A_449 = arith.index_cast %parallel_loop3A_445 : i32 to index
      %parallel_loop3A_450 = tpu.vector_load %arg5[%parallel_loop3A_448, %parallel_loop3A_449] {strides = array<i32>} : memref<64x1024xf32, #tpu.memory_space<vmem>>, vector<1x16xf32>,
      %parallel_loop3A_451 = vector.shape_cast %parallel_loop3A_450 : vector<1x16xf32> to vector<16xf32>
      %parallel_loop3A_452 = arith.index_cast %parallel_loop3A_442 : i32 to index
      %parallel_loop3A_453 = arith.index_cast %parallel_loop3A_445 : i32 to index
      %parallel_loop3A_454 = tpu.vector_load %arg8[%parallel_loop3A_452, %parallel_loop3A_453] {strides = array<i32>} : memref<16x1024xf32, #tpu.memory_space<vmem>>, vector<1x16xf32>,
      %parallel_loop3A_455 = vector.shape_cast %parallel_loop3A_454 : vector<1x16xf32> to vector<16xf32>
      %parallel_loop3A_456 = vector.shape_cast %parallel_loop3A_451 : vector<16xf32> to vector<1x16xf32>
      tpu.vector_store %arg8[%parallel_loop3A_452, %parallel_loop3A_453], %parallel_loop3A_456 {add = true, strides = array<i32>} : memref<16x1024xf32, #tpu.memory_space<vmem>>, vector<1x16xf32>,
    } {sc.loop_unroll_factor = 8 : i64, sc.parallel_access}
    %add3A_255 = arith.constant 4096 : i32
    %add3A_256 = arith.addi %add3A_255, %mul3A_2 : i32
    %add3A_257 = arith.constant 0 : i32
    %add3A_258 = arith.addi %add3A_256, %add3A_257 : i32
    %dma_start3A_259 = arith.constant 0 : i32
    %dma_start3A_260 = tpu.memref_slice %arg4[%add3A_258, %dma_start3A_259] : memref<8192x1024xf32, #tpu.memory_space<hbm>> -> memref<16x1024xf32, #tpu.memory_space<hbm>>
    %dma_start3A_261 = arith.constant 0 : i32
    %dma_start3A_262 = tpu.memref_slice %arg4[%add3A_258, %dma_start3A_261] : memref<8192x1024xf32, #tpu.memory_space<hbm>> -> memref<16x1024xf32, #tpu.memory_space<hbm>>
    tpu.enqueue_dma source(%arg8 : memref<16x1024xf32, #tpu.memory_space<vmem>>) target(%dma_start3A_262 : memref<16x1024xf32, #tpu.memory_space<hbm>>) target_semaphore(%arg15 : memref<!tpu.dma_semaphore, #tpu.memory_space<semaphore_mem>>)
    %dma_wait3A_263 = arith.constant 0 : i32
    %dma_wait3A_264 = tpu.memref_slice %arg4[%add3A_258, %dma_wait3A_263] : memref<8192x1024xf32, #tpu.memory_space<hbm>> -> memref<16x1024xf32, #tpu.memory_space<hbm>>
    %dma_wait3A_265 = arith.constant 0 : i32
    %dma_wait3A_266 = tpu.memref_slice %arg4[%add3A_258, %dma_wait3A_265] : memref<8192x1024xf32, #tpu.memory_space<hbm>> -> memref<16x1024xf32, #tpu.memory_space<hbm>>
    tpu.wait_dma2 semaphore(%arg15 : memref<!tpu.dma_semaphore, #tpu.memory_space<semaphore_mem>>) src(%arg8 : memref<16x1024xf32, #tpu.memory_space<vmem>>) dst(%dma_wait3A_266 : memref<16x1024xf32, #tpu.memory_space<hbm>>)
    %add3A_267 = arith.constant 4096 : i32
    %add3A_268 = arith.addi %add3A_267, %mul3A_2 : i32
    %add3A_269 = arith.constant 48 : i32
    %add3A_270 = arith.addi %add3A_268, %add3A_269 : i32
    %dma_start3A_271 = arith.constant 0 : i32
    %dma_start3A_272 = tpu.memref_slice %arg2[%add3A_270, %dma_start3A_271] : memref<8192x1024xf32, #tpu.memory_space<hbm>> -> memref<16x1024xf32, #tpu.memory_space<hbm>>
    %dma_start3A_273 = arith.constant 0 : i32
    %dma_start3A_274 = tpu.memref_slice %arg2[%add3A_270, %dma_start3A_273] : memref<8192x1024xf32, #tpu.memory_space<hbm>> -> memref<16x1024xf32, #tpu.memory_space<hbm>>
    tpu.enqueue_dma source(%dma_start3A_274 : memref<16x1024xf32, #tpu.memory_space<hbm>>) target(%arg8 : memref<16x1024xf32, #tpu.memory_space<vmem>>) target_semaphore(%arg12 : memref<!tpu.dma_semaphore, #tpu.memory_space<semaphore_mem>>)
    %dma_wait3A_275 = arith.constant 0 : i32
    %dma_wait3A_276 = tpu.memref_slice %arg2[%add3A_216, %dma_wait3A_275] : memref<8192x1024xf32, #tpu.memory_space<hbm>> -> memref<16x1024xf32, #tpu.memory_space<hbm>>
    %dma_wait3A_277 = arith.constant 0 : i32
    %dma_wait3A_278 = tpu.memref_slice %arg2[%add3A_216, %dma_wait3A_277] : memref<8192x1024xf32, #tpu.memory_space<hbm>> -> memref<16x1024xf32, #tpu.memory_space<hbm>>
    tpu.wait_dma2 semaphore(%arg10 : memref<!tpu.dma_semaphore, #tpu.memory_space<semaphore_mem>>) src(%dma_wait3A_278 : memref<16x1024xf32, #tpu.memory_space<hbm>>) dst(%arg6 : memref<16x1024xf32, #tpu.memory_space<vmem>>)
    %parallel_loop3A_279 = arith.constant 0 : i32
    %parallel_loop3A_280 = arith.constant 16384 : i32
    %parallel_loop3A_281 = arith.constant 16 : i32
    scf.for %parallel_loop3A_440 = %parallel_loop3A_279 to %parallel_loop3A_280 step %parallel_loop3A_281  : i32 {
      %parallel_loop3A_441 = arith.constant 10 : i32
      %parallel_loop3A_442 = arith.shrui %parallel_loop3A_440, %parallel_loop3A_441 : i32
      %parallel_loop3A_443 = arith.constant 1023 : i32
      %parallel_loop3A_444 = arith.andi %parallel_loop3A_440, %parallel_loop3A_443 : i32
      %parallel_loop3A_445 = tpu.assume_multiple %parallel_loop3A_444, 16 : i32
      %parallel_loop3A_446 = arith.constant 16 : i32
      %parallel_loop3A_447 = arith.addi %parallel_loop3A_446, %parallel_loop3A_442 : i32
      %parallel_loop3A_448 = arith.index_cast %parallel_loop3A_447 : i32 to index
      %parallel_loop3A_449 = arith.index_cast %parallel_loop3A_445 : i32 to index
      %parallel_loop3A_450 = tpu.vector_load %arg5[%parallel_loop3A_448, %parallel_loop3A_449] {strides = array<i32>} : memref<64x1024xf32, #tpu.memory_space<vmem>>, vector<1x16xf32>,
      %parallel_loop3A_451 = vector.shape_cast %parallel_loop3A_450 : vector<1x16xf32> to vector<16xf32>
      %parallel_loop3A_452 = arith.index_cast %parallel_loop3A_442 : i32 to index
      %parallel_loop3A_453 = arith.index_cast %parallel_loop3A_445 : i32 to index
      %parallel_loop3A_454 = tpu.vector_load %arg6[%parallel_loop3A_452, %parallel_loop3A_453] {strides = array<i32>} : memref<16x1024xf32, #tpu.memory_space<vmem>>, vector<1x16xf32>,
      %parallel_loop3A_455 = vector.shape_cast %parallel_loop3A_454 : vector<1x16xf32> to vector<16xf32>
      %parallel_loop3A_456 = vector.shape_cast %parallel_loop3A_451 : vector<16xf32> to vector<1x16xf32>
      tpu.vector_store %arg6[%parallel_loop3A_452, %parallel_loop3A_453], %parallel_loop3A_456 {add = true, strides = array<i32>} : memref<16x1024xf32, #tpu.memory_space<vmem>>, vector<1x16xf32>,
    } {sc.loop_unroll_factor = 8 : i64, sc.parallel_access}
    %add3A_282 = arith.constant 4096 : i32
    %add3A_283 = arith.addi %add3A_282, %mul3A_2 : i32
    %add3A_284 = arith.constant 16 : i32
    %add3A_285 = arith.addi %add3A_283, %add3A_284 : i32
    %dma_start3A_286 = arith.constant 0 : i32
    %dma_start3A_287 = tpu.memref_slice %arg4[%add3A_285, %dma_start3A_286] : memref<8192x1024xf32, #tpu.memory_space<hbm>> -> memref<16x1024xf32, #tpu.memory_space<hbm>>
    %dma_start3A_288 = arith.constant 0 : i32
    %dma_start3A_289 = tpu.memref_slice %arg4[%add3A_285, %dma_start3A_288] : memref<8192x1024xf32, #tpu.memory_space<hbm>> -> memref<16x1024xf32, #tpu.memory_space<hbm>>
    tpu.enqueue_dma source(%arg6 : memref<16x1024xf32, #tpu.memory_space<vmem>>) target(%dma_start3A_289 : memref<16x1024xf32, #tpu.memory_space<hbm>>) target_semaphore(%arg13 : memref<!tpu.dma_semaphore, #tpu.memory_space<semaphore_mem>>)
    %dma_wait3A_290 = arith.constant 0 : i32
    %dma_wait3A_291 = tpu.memref_slice %arg4[%add3A_285, %dma_wait3A_290] : memref<8192x1024xf32, #tpu.memory_space<hbm>> -> memref<16x1024xf32, #tpu.memory_space<hbm>>
    %dma_wait3A_292 = arith.constant 0 : i32
    %dma_wait3A_293 = tpu.memref_slice %arg4[%add3A_285, %dma_wait3A_292] : memref<8192x1024xf32, #tpu.memory_space<hbm>> -> memref<16x1024xf32, #tpu.memory_space<hbm>>
    tpu.wait_dma2 semaphore(%arg13 : memref<!tpu.dma_semaphore, #tpu.memory_space<semaphore_mem>>) src(%arg6 : memref<16x1024xf32, #tpu.memory_space<vmem>>) dst(%dma_wait3A_293 : memref<16x1024xf32, #tpu.memory_space<hbm>>)
    %add3A_294 = arith.constant 6144 : i32
    %add3A_295 = arith.addi %add3A_294, %mul3A_2 : i32
    %add3A_296 = arith.constant 0 : i32
    %add3A_297 = arith.addi %add3A_295, %add3A_296 : i32
    %dma_start3A_298 = arith.constant 0 : i32
    %dma_start3A_299 = tpu.memref_slice %arg2[%add3A_297, %dma_start3A_298] : memref<8192x1024xf32, #tpu.memory_space<hbm>> -> memref<16x1024xf32, #tpu.memory_space<hbm>>
    %dma_start3A_300 = arith.constant 0 : i32
    %dma_start3A_301 = tpu.memref_slice %arg2[%add3A_297, %dma_start3A_300] : memref<8192x1024xf32, #tpu.memory_space<hbm>> -> memref<16x1024xf32, #tpu.memory_space<hbm>>
    tpu.enqueue_dma source(%dma_start3A_301 : memref<16x1024xf32, #tpu.memory_space<hbm>>) target(%arg6 : memref<16x1024xf32, #tpu.memory_space<vmem>>) target_semaphore(%arg10 : memref<!tpu.dma_semaphore, #tpu.memory_space<semaphore_mem>>)
    %dma_wait3A_302 = arith.constant 0 : i32
    %dma_wait3A_303 = tpu.memref_slice %arg2[%add3A_243, %dma_wait3A_302] : memref<8192x1024xf32, #tpu.memory_space<hbm>> -> memref<16x1024xf32, #tpu.memory_space<hbm>>
    %dma_wait3A_304 = arith.constant 0 : i32
    %dma_wait3A_305 = tpu.memref_slice %arg2[%add3A_243, %dma_wait3A_304] : memref<8192x1024xf32, #tpu.memory_space<hbm>> -> memref<16x1024xf32, #tpu.memory_space<hbm>>
    tpu.wait_dma2 semaphore(%arg11 : memref<!tpu.dma_semaphore, #tpu.memory_space<semaphore_mem>>) src(%dma_wait3A_305 : memref<16x1024xf32, #tpu.memory_space<hbm>>) dst(%arg7 : memref<16x1024xf32, #tpu.memory_space<vmem>>)
    %parallel_loop3A_306 = arith.constant 0 : i32
    %parallel_loop3A_307 = arith.constant 16384 : i32
    %parallel_loop3A_308 = arith.constant 16 : i32
    scf.for %parallel_loop3A_440 = %parallel_loop3A_306 to %parallel_loop3A_307 step %parallel_loop3A_308  : i32 {
      %parallel_loop3A_441 = arith.constant 10 : i32
      %parallel_loop3A_442 = arith.shrui %parallel_loop3A_440, %parallel_loop3A_441 : i32
      %parallel_loop3A_443 = arith.constant 1023 : i32
      %parallel_loop3A_444 = arith.andi %parallel_loop3A_440, %parallel_loop3A_443 : i32
      %parallel_loop3A_445 = tpu.assume_multiple %parallel_loop3A_444, 16 : i32
      %parallel_loop3A_446 = arith.constant 32 : i32
      %parallel_loop3A_447 = arith.addi %parallel_loop3A_446, %parallel_loop3A_442 : i32
      %parallel_loop3A_448 = arith.index_cast %parallel_loop3A_447 : i32 to index
      %parallel_loop3A_449 = arith.index_cast %parallel_loop3A_445 : i32 to index
      %parallel_loop3A_450 = tpu.vector_load %arg5[%parallel_loop3A_448, %parallel_loop3A_449] {strides = array<i32>} : memref<64x1024xf32, #tpu.memory_space<vmem>>, vector<1x16xf32>,
      %parallel_loop3A_451 = vector.shape_cast %parallel_loop3A_450 : vector<1x16xf32> to vector<16xf32>
      %parallel_loop3A_452 = arith.index_cast %parallel_loop3A_442 : i32 to index
      %parallel_loop3A_453 = arith.index_cast %parallel_loop3A_445 : i32 to index
      %parallel_loop3A_454 = tpu.vector_load %arg7[%parallel_loop3A_452, %parallel_loop3A_453] {strides = array<i32>} : memref<16x1024xf32, #tpu.memory_space<vmem>>, vector<1x16xf32>,
      %parallel_loop3A_455 = vector.shape_cast %parallel_loop3A_454 : vector<1x16xf32> to vector<16xf32>
      %parallel_loop3A_456 = vector.shape_cast %parallel_loop3A_451 : vector<16xf32> to vector<1x16xf32>
      tpu.vector_store %arg7[%parallel_loop3A_452, %parallel_loop3A_453], %parallel_loop3A_456 {add = true, strides = array<i32>} : memref<16x1024xf32, #tpu.memory_space<vmem>>, vector<1x16xf32>,
    } {sc.loop_unroll_factor = 8 : i64, sc.parallel_access}
    %add3A_309 = arith.constant 4096 : i32
    %add3A_310 = arith.addi %add3A_309, %mul3A_2 : i32
    %add3A_311 = arith.constant 32 : i32
    %add3A_312 = arith.addi %add3A_310, %add3A_311 : i32
    %dma_start3A_313 = arith.constant 0 : i32
    %dma_start3A_314 = tpu.memref_slice %arg4[%add3A_312, %dma_start3A_313] : memref<8192x1024xf32, #tpu.memory_space<hbm>> -> memref<16x1024xf32, #tpu.memory_space<hbm>>
    %dma_start3A_315 = arith.constant 0 : i32
    %dma_start3A_316 = tpu.memref_slice %arg4[%add3A_312, %dma_start3A_315] : memref<8192x1024xf32, #tpu.memory_space<hbm>> -> memref<16x1024xf32, #tpu.memory_space<hbm>>
    tpu.enqueue_dma source(%arg7 : memref<16x1024xf32, #tpu.memory_space<vmem>>) target(%dma_start3A_316 : memref<16x1024xf32, #tpu.memory_space<hbm>>) target_semaphore(%arg14 : memref<!tpu.dma_semaphore, #tpu.memory_space<semaphore_mem>>)
    %dma_wait3A_317 = arith.constant 0 : i32
    %dma_wait3A_318 = tpu.memref_slice %arg4[%add3A_312, %dma_wait3A_317] : memref<8192x1024xf32, #tpu.memory_space<hbm>> -> memref<16x1024xf32, #tpu.memory_space<hbm>>
    %dma_wait3A_319 = arith.constant 0 : i32
    %dma_wait3A_320 = tpu.memref_slice %arg4[%add3A_312, %dma_wait3A_319] : memref<8192x1024xf32, #tpu.memory_space<hbm>> -> memref<16x1024xf32, #tpu.memory_space<hbm>>
    tpu.wait_dma2 semaphore(%arg14 : memref<!tpu.dma_semaphore, #tpu.memory_space<semaphore_mem>>) src(%arg7 : memref<16x1024xf32, #tpu.memory_space<vmem>>) dst(%dma_wait3A_320 : memref<16x1024xf32, #tpu.memory_space<hbm>>)
    %add3A_321 = arith.constant 6144 : i32
    %add3A_322 = arith.addi %add3A_321, %mul3A_2 : i32
    %add3A_323 = arith.constant 16 : i32
    %add3A_324 = arith.addi %add3A_322, %add3A_323 : i32
    %dma_start3A_325 = arith.constant 0 : i32
    %dma_start3A_326 = tpu.memref_slice %arg2[%add3A_324, %dma_start3A_325] : memref<8192x1024xf32, #tpu.memory_space<hbm>> -> memref<16x1024xf32, #tpu.memory_space<hbm>>
    %dma_start3A_327 = arith.constant 0 : i32
    %dma_start3A_328 = tpu.memref_slice %arg2[%add3A_324, %dma_start3A_327] : memref<8192x1024xf32, #tpu.memory_space<hbm>> -> memref<16x1024xf32, #tpu.memory_space<hbm>>
    tpu.enqueue_dma source(%dma_start3A_328 : memref<16x1024xf32, #tpu.memory_space<hbm>>) target(%arg7 : memref<16x1024xf32, #tpu.memory_space<vmem>>) target_semaphore(%arg11 : memref<!tpu.dma_semaphore, #tpu.memory_space<semaphore_mem>>)
    %dma_wait3A_329 = arith.constant 0 : i32
    %dma_wait3A_330 = tpu.memref_slice %arg2[%add3A_270, %dma_wait3A_329] : memref<8192x1024xf32, #tpu.memory_space<hbm>> -> memref<16x1024xf32, #tpu.memory_space<hbm>>
    %dma_wait3A_331 = arith.constant 0 : i32
    %dma_wait3A_332 = tpu.memref_slice %arg2[%add3A_270, %dma_wait3A_331] : memref<8192x1024xf32, #tpu.memory_space<hbm>> -> memref<16x1024xf32, #tpu.memory_space<hbm>>
    tpu.wait_dma2 semaphore(%arg12 : memref<!tpu.dma_semaphore, #tpu.memory_space<semaphore_mem>>) src(%dma_wait3A_332 : memref<16x1024xf32, #tpu.memory_space<hbm>>) dst(%arg8 : memref<16x1024xf32, #tpu.memory_space<vmem>>)
    %parallel_loop3A_333 = arith.constant 0 : i32
    %parallel_loop3A_334 = arith.constant 16384 : i32
    %parallel_loop3A_335 = arith.constant 16 : i32
    scf.for %parallel_loop3A_440 = %parallel_loop3A_333 to %parallel_loop3A_334 step %parallel_loop3A_335  : i32 {
      %parallel_loop3A_441 = arith.constant 10 : i32
      %parallel_loop3A_442 = arith.shrui %parallel_loop3A_440, %parallel_loop3A_441 : i32
      %parallel_loop3A_443 = arith.constant 1023 : i32
      %parallel_loop3A_444 = arith.andi %parallel_loop3A_440, %parallel_loop3A_443 : i32
      %parallel_loop3A_445 = tpu.assume_multiple %parallel_loop3A_444, 16 : i32
      %parallel_loop3A_446 = arith.constant 48 : i32
      %parallel_loop3A_447 = arith.addi %parallel_loop3A_446, %parallel_loop3A_442 : i32
      %parallel_loop3A_448 = arith.index_cast %parallel_loop3A_447 : i32 to index
      %parallel_loop3A_449 = arith.index_cast %parallel_loop3A_445 : i32 to index
      %parallel_loop3A_450 = tpu.vector_load %arg5[%parallel_loop3A_448, %parallel_loop3A_449] {strides = array<i32>} : memref<64x1024xf32, #tpu.memory_space<vmem>>, vector<1x16xf32>,
      %parallel_loop3A_451 = vector.shape_cast %parallel_loop3A_450 : vector<1x16xf32> to vector<16xf32>
      %parallel_loop3A_452 = arith.index_cast %parallel_loop3A_442 : i32 to index
      %parallel_loop3A_453 = arith.index_cast %parallel_loop3A_445 : i32 to index
      %parallel_loop3A_454 = tpu.vector_load %arg8[%parallel_loop3A_452, %parallel_loop3A_453] {strides = array<i32>} : memref<16x1024xf32, #tpu.memory_space<vmem>>, vector<1x16xf32>,
      %parallel_loop3A_455 = vector.shape_cast %parallel_loop3A_454 : vector<1x16xf32> to vector<16xf32>
      %parallel_loop3A_456 = vector.shape_cast %parallel_loop3A_451 : vector<16xf32> to vector<1x16xf32>
      tpu.vector_store %arg8[%parallel_loop3A_452, %parallel_loop3A_453], %parallel_loop3A_456 {add = true, strides = array<i32>} : memref<16x1024xf32, #tpu.memory_space<vmem>>, vector<1x16xf32>,
    } {sc.loop_unroll_factor = 8 : i64, sc.parallel_access}
    %add3A_336 = arith.constant 4096 : i32
    %add3A_337 = arith.addi %add3A_336, %mul3A_2 : i32
    %add3A_338 = arith.constant 48 : i32
    %add3A_339 = arith.addi %add3A_337, %add3A_338 : i32
    %dma_start3A_340 = arith.constant 0 : i32
    %dma_start3A_341 = tpu.memref_slice %arg4[%add3A_339, %dma_start3A_340] : memref<8192x1024xf32, #tpu.memory_space<hbm>> -> memref<16x1024xf32, #tpu.memory_space<hbm>>
    %dma_start3A_342 = arith.constant 0 : i32
    %dma_start3A_343 = tpu.memref_slice %arg4[%add3A_339, %dma_start3A_342] : memref<8192x1024xf32, #tpu.memory_space<hbm>> -> memref<16x1024xf32, #tpu.memory_space<hbm>>
    tpu.enqueue_dma source(%arg8 : memref<16x1024xf32, #tpu.memory_space<vmem>>) target(%dma_start3A_343 : memref<16x1024xf32, #tpu.memory_space<hbm>>) target_semaphore(%arg15 : memref<!tpu.dma_semaphore, #tpu.memory_space<semaphore_mem>>)
    %dma_wait3A_344 = arith.constant 0 : i32
    %dma_wait3A_345 = tpu.memref_slice %arg4[%add3A_339, %dma_wait3A_344] : memref<8192x1024xf32, #tpu.memory_space<hbm>> -> memref<16x1024xf32, #tpu.memory_space<hbm>>
    %dma_wait3A_346 = arith.constant 0 : i32
    %dma_wait3A_347 = tpu.memref_slice %arg4[%add3A_339, %dma_wait3A_346] : memref<8192x1024xf32, #tpu.memory_space<hbm>> -> memref<16x1024xf32, #tpu.memory_space<hbm>>
    tpu.wait_dma2 semaphore(%arg15 : memref<!tpu.dma_semaphore, #tpu.memory_space<semaphore_mem>>) src(%arg8 : memref<16x1024xf32, #tpu.memory_space<vmem>>) dst(%dma_wait3A_347 : memref<16x1024xf32, #tpu.memory_space<hbm>>)
    %add3A_348 = arith.constant 6144 : i32
    %add3A_349 = arith.addi %add3A_348, %mul3A_2 : i32
    %add3A_350 = arith.constant 32 : i32
    %add3A_351 = arith.addi %add3A_349, %add3A_350 : i32
    %dma_start3A_352 = arith.constant 0 : i32
    %dma_start3A_353 = tpu.memref_slice %arg2[%add3A_351, %dma_start3A_352] : memref<8192x1024xf32, #tpu.memory_space<hbm>> -> memref<16x1024xf32, #tpu.memory_space<hbm>>
    %dma_start3A_354 = arith.constant 0 : i32
    %dma_start3A_355 = tpu.memref_slice %arg2[%add3A_351, %dma_start3A_354] : memref<8192x1024xf32, #tpu.memory_space<hbm>> -> memref<16x1024xf32, #tpu.memory_space<hbm>>
    tpu.enqueue_dma source(%dma_start3A_355 : memref<16x1024xf32, #tpu.memory_space<hbm>>) target(%arg8 : memref<16x1024xf32, #tpu.memory_space<vmem>>) target_semaphore(%arg12 : memref<!tpu.dma_semaphore, #tpu.memory_space<semaphore_mem>>)
    %dma_wait3A_356 = arith.constant 0 : i32
    %dma_wait3A_357 = tpu.memref_slice %arg2[%add3A_297, %dma_wait3A_356] : memref<8192x1024xf32, #tpu.memory_space<hbm>> -> memref<16x1024xf32, #tpu.memory_space<hbm>>
    %dma_wait3A_358 = arith.constant 0 : i32
    %dma_wait3A_359 = tpu.memref_slice %arg2[%add3A_297, %dma_wait3A_358] : memref<8192x1024xf32, #tpu.memory_space<hbm>> -> memref<16x1024xf32, #tpu.memory_space<hbm>>
    tpu.wait_dma2 semaphore(%arg10 : memref<!tpu.dma_semaphore, #tpu.memory_space<semaphore_mem>>) src(%dma_wait3A_359 : memref<16x1024xf32, #tpu.memory_space<hbm>>) dst(%arg6 : memref<16x1024xf32, #tpu.memory_space<vmem>>)
    %parallel_loop3A_360 = arith.constant 0 : i32
    %parallel_loop3A_361 = arith.constant 16384 : i32
    %parallel_loop3A_362 = arith.constant 16 : i32
    scf.for %parallel_loop3A_440 = %parallel_loop3A_360 to %parallel_loop3A_361 step %parallel_loop3A_362  : i32 {
      %parallel_loop3A_441 = arith.constant 10 : i32
      %parallel_loop3A_442 = arith.shrui %parallel_loop3A_440, %parallel_loop3A_441 : i32
      %parallel_loop3A_443 = arith.constant 1023 : i32
      %parallel_loop3A_444 = arith.andi %parallel_loop3A_440, %parallel_loop3A_443 : i32
      %parallel_loop3A_445 = tpu.assume_multiple %parallel_loop3A_444, 16 : i32
      %parallel_loop3A_446 = arith.constant 0 : i32
      %parallel_loop3A_447 = arith.addi %parallel_loop3A_446, %parallel_loop3A_442 : i32
      %parallel_loop3A_448 = arith.index_cast %parallel_loop3A_447 : i32 to index
      %parallel_loop3A_449 = arith.index_cast %parallel_loop3A_445 : i32 to index
      %parallel_loop3A_450 = tpu.vector_load %arg5[%parallel_loop3A_448, %parallel_loop3A_449] {strides = array<i32>} : memref<64x1024xf32, #tpu.memory_space<vmem>>, vector<1x16xf32>,
      %parallel_loop3A_451 = vector.shape_cast %parallel_loop3A_450 : vector<1x16xf32> to vector<16xf32>
      %parallel_loop3A_452 = arith.index_cast %parallel_loop3A_442 : i32 to index
      %parallel_loop3A_453 = arith.index_cast %parallel_loop3A_445 : i32 to index
      %parallel_loop3A_454 = tpu.vector_load %arg6[%parallel_loop3A_452, %parallel_loop3A_453] {strides = array<i32>} : memref<16x1024xf32, #tpu.memory_space<vmem>>, vector<1x16xf32>,
      %parallel_loop3A_455 = vector.shape_cast %parallel_loop3A_454 : vector<1x16xf32> to vector<16xf32>
      %parallel_loop3A_456 = vector.shape_cast %parallel_loop3A_451 : vector<16xf32> to vector<1x16xf32>
      tpu.vector_store %arg6[%parallel_loop3A_452, %parallel_loop3A_453], %parallel_loop3A_456 {add = true, strides = array<i32>} : memref<16x1024xf32, #tpu.memory_space<vmem>>, vector<1x16xf32>,
    } {sc.loop_unroll_factor = 8 : i64, sc.parallel_access}
    %add3A_363 = arith.constant 6144 : i32
    %add3A_364 = arith.addi %add3A_363, %mul3A_2 : i32
    %add3A_365 = arith.constant 0 : i32
    %add3A_366 = arith.addi %add3A_364, %add3A_365 : i32
    %dma_start3A_367 = arith.constant 0 : i32
    %dma_start3A_368 = tpu.memref_slice %arg4[%add3A_366, %dma_start3A_367] : memref<8192x1024xf32, #tpu.memory_space<hbm>> -> memref<16x1024xf32, #tpu.memory_space<hbm>>
    %dma_start3A_369 = arith.constant 0 : i32
    %dma_start3A_370 = tpu.memref_slice %arg4[%add3A_366, %dma_start3A_369] : memref<8192x1024xf32, #tpu.memory_space<hbm>> -> memref<16x1024xf32, #tpu.memory_space<hbm>>
    tpu.enqueue_dma source(%arg6 : memref<16x1024xf32, #tpu.memory_space<vmem>>) target(%dma_start3A_370 : memref<16x1024xf32, #tpu.memory_space<hbm>>) target_semaphore(%arg13 : memref<!tpu.dma_semaphore, #tpu.memory_space<semaphore_mem>>)
    %dma_wait3A_371 = arith.constant 0 : i32
    %dma_wait3A_372 = tpu.memref_slice %arg4[%add3A_366, %dma_wait3A_371] : memref<8192x1024xf32, #tpu.memory_space<hbm>> -> memref<16x1024xf32, #tpu.memory_space<hbm>>
    %dma_wait3A_373 = arith.constant 0 : i32
    %dma_wait3A_374 = tpu.memref_slice %arg4[%add3A_366, %dma_wait3A_373] : memref<8192x1024xf32, #tpu.memory_space<hbm>> -> memref<16x1024xf32, #tpu.memory_space<hbm>>
    tpu.wait_dma2 semaphore(%arg13 : memref<!tpu.dma_semaphore, #tpu.memory_space<semaphore_mem>>) src(%arg6 : memref<16x1024xf32, #tpu.memory_space<vmem>>) dst(%dma_wait3A_374 : memref<16x1024xf32, #tpu.memory_space<hbm>>)
    %add3A_375 = arith.constant 6144 : i32
    %add3A_376 = arith.addi %add3A_375, %mul3A_2 : i32
    %add3A_377 = arith.constant 48 : i32
    %add3A_378 = arith.addi %add3A_376, %add3A_377 : i32
    %dma_start3A_379 = arith.constant 0 : i32
    %dma_start3A_380 = tpu.memref_slice %arg2[%add3A_378, %dma_start3A_379] : memref<8192x1024xf32, #tpu.memory_space<hbm>> -> memref<16x1024xf32, #tpu.memory_space<hbm>>
    %dma_start3A_381 = arith.constant 0 : i32
    %dma_start3A_382 = tpu.memref_slice %arg2[%add3A_378, %dma_start3A_381] : memref<8192x1024xf32, #tpu.memory_space<hbm>> -> memref<16x1024xf32, #tpu.memory_space<hbm>>
    tpu.enqueue_dma source(%dma_start3A_382 : memref<16x1024xf32, #tpu.memory_space<hbm>>) target(%arg6 : memref<16x1024xf32, #tpu.memory_space<vmem>>) target_semaphore(%arg10 : memref<!tpu.dma_semaphore, #tpu.memory_space<semaphore_mem>>)
    %dma_wait3A_383 = arith.constant 0 : i32
    %dma_wait3A_384 = tpu.memref_slice %arg2[%add3A_324, %dma_wait3A_383] : memref<8192x1024xf32, #tpu.memory_space<hbm>> -> memref<16x1024xf32, #tpu.memory_space<hbm>>
    %dma_wait3A_385 = arith.constant 0 : i32
    %dma_wait3A_386 = tpu.memref_slice %arg2[%add3A_324, %dma_wait3A_385] : memref<8192x1024xf32, #tpu.memory_space<hbm>> -> memref<16x1024xf32, #tpu.memory_space<hbm>>
    tpu.wait_dma2 semaphore(%arg11 : memref<!tpu.dma_semaphore, #tpu.memory_space<semaphore_mem>>) src(%dma_wait3A_386 : memref<16x1024xf32, #tpu.memory_space<hbm>>) dst(%arg7 : memref<16x1024xf32, #tpu.memory_space<vmem>>)
    %parallel_loop3A_387 = arith.constant 0 : i32
    %parallel_loop3A_388 = arith.constant 16384 : i32
    %parallel_loop3A_389 = arith.constant 16 : i32
    scf.for %parallel_loop3A_440 = %parallel_loop3A_387 to %parallel_loop3A_388 step %parallel_loop3A_389  : i32 {
      %parallel_loop3A_441 = arith.constant 10 : i32
      %parallel_loop3A_442 = arith.shrui %parallel_loop3A_440, %parallel_loop3A_441 : i32
      %parallel_loop3A_443 = arith.constant 1023 : i32
      %parallel_loop3A_444 = arith.andi %parallel_loop3A_440, %parallel_loop3A_443 : i32
      %parallel_loop3A_445 = tpu.assume_multiple %parallel_loop3A_444, 16 : i32
      %parallel_loop3A_446 = arith.constant 16 : i32
      %parallel_loop3A_447 = arith.addi %parallel_loop3A_446, %parallel_loop3A_442 : i32
      %parallel_loop3A_448 = arith.index_cast %parallel_loop3A_447 : i32 to index
      %parallel_loop3A_449 = arith.index_cast %parallel_loop3A_445 : i32 to index
      %parallel_loop3A_450 = tpu.vector_load %arg5[%parallel_loop3A_448, %parallel_loop3A_449] {strides = array<i32>} : memref<64x1024xf32, #tpu.memory_space<vmem>>, vector<1x16xf32>,
      %parallel_loop3A_451 = vector.shape_cast %parallel_loop3A_450 : vector<1x16xf32> to vector<16xf32>
      %parallel_loop3A_452 = arith.index_cast %parallel_loop3A_442 : i32 to index
      %parallel_loop3A_453 = arith.index_cast %parallel_loop3A_445 : i32 to index
      %parallel_loop3A_454 = tpu.vector_load %arg7[%parallel_loop3A_452, %parallel_loop3A_453] {strides = array<i32>} : memref<16x1024xf32, #tpu.memory_space<vmem>>, vector<1x16xf32>,
      %parallel_loop3A_455 = vector.shape_cast %parallel_loop3A_454 : vector<1x16xf32> to vector<16xf32>
      %parallel_loop3A_456 = vector.shape_cast %parallel_loop3A_451 : vector<16xf32> to vector<1x16xf32>
      tpu.vector_store %arg7[%parallel_loop3A_452, %parallel_loop3A_453], %parallel_loop3A_456 {add = true, strides = array<i32>} : memref<16x1024xf32, #tpu.memory_space<vmem>>, vector<1x16xf32>,
    } {sc.loop_unroll_factor = 8 : i64, sc.parallel_access}
    %add3A_390 = arith.constant 6144 : i32
    %add3A_391 = arith.addi %add3A_390, %mul3A_2 : i32
    %add3A_392 = arith.constant 16 : i32
    %add3A_393 = arith.addi %add3A_391, %add3A_392 : i32
    %dma_start3A_394 = arith.constant 0 : i32
    %dma_start3A_395 = tpu.memref_slice %arg4[%add3A_393, %dma_start3A_394] : memref<8192x1024xf32, #tpu.memory_space<hbm>> -> memref<16x1024xf32, #tpu.memory_space<hbm>>
    %dma_start3A_396 = arith.constant 0 : i32
    %dma_start3A_397 = tpu.memref_slice %arg4[%add3A_393, %dma_start3A_396] : memref<8192x1024xf32, #tpu.memory_space<hbm>> -> memref<16x1024xf32, #tpu.memory_space<hbm>>
    tpu.enqueue_dma source(%arg7 : memref<16x1024xf32, #tpu.memory_space<vmem>>) target(%dma_start3A_397 : memref<16x1024xf32, #tpu.memory_space<hbm>>) target_semaphore(%arg14 : memref<!tpu.dma_semaphore, #tpu.memory_space<semaphore_mem>>)
    %dma_wait3A_398 = arith.constant 0 : i32
    %dma_wait3A_399 = tpu.memref_slice %arg2[%add3A_351, %dma_wait3A_398] : memref<8192x1024xf32, #tpu.memory_space<hbm>> -> memref<16x1024xf32, #tpu.memory_space<hbm>>
    %dma_wait3A_400 = arith.constant 0 : i32
    %dma_wait3A_401 = tpu.memref_slice %arg2[%add3A_351, %dma_wait3A_400] : memref<8192x1024xf32, #tpu.memory_space<hbm>> -> memref<16x1024xf32, #tpu.memory_space<hbm>>
    tpu.wait_dma2 semaphore(%arg12 : memref<!tpu.dma_semaphore, #tpu.memory_space<semaphore_mem>>) src(%dma_wait3A_401 : memref<16x1024xf32, #tpu.memory_space<hbm>>) dst(%arg8 : memref<16x1024xf32, #tpu.memory_space<vmem>>)
    %parallel_loop3A_402 = arith.constant 0 : i32
    %parallel_loop3A_403 = arith.constant 16384 : i32
    %parallel_loop3A_404 = arith.constant 16 : i32
    scf.for %parallel_loop3A_440 = %parallel_loop3A_402 to %parallel_loop3A_403 step %parallel_loop3A_404  : i32 {
      %parallel_loop3A_441 = arith.constant 10 : i32
      %parallel_loop3A_442 = arith.shrui %parallel_loop3A_440, %parallel_loop3A_441 : i32
      %parallel_loop3A_443 = arith.constant 1023 : i32
      %parallel_loop3A_444 = arith.andi %parallel_loop3A_440, %parallel_loop3A_443 : i32
      %parallel_loop3A_445 = tpu.assume_multiple %parallel_loop3A_444, 16 : i32
      %parallel_loop3A_446 = arith.constant 32 : i32
      %parallel_loop3A_447 = arith.addi %parallel_loop3A_446, %parallel_loop3A_442 : i32
      %parallel_loop3A_448 = arith.index_cast %parallel_loop3A_447 : i32 to index
      %parallel_loop3A_449 = arith.index_cast %parallel_loop3A_445 : i32 to index
      %parallel_loop3A_450 = tpu.vector_load %arg5[%parallel_loop3A_448, %parallel_loop3A_449] {strides = array<i32>} : memref<64x1024xf32, #tpu.memory_space<vmem>>, vector<1x16xf32>,
      %parallel_loop3A_451 = vector.shape_cast %parallel_loop3A_450 : vector<1x16xf32> to vector<16xf32>
      %parallel_loop3A_452 = arith.index_cast %parallel_loop3A_442 : i32 to index
      %parallel_loop3A_453 = arith.index_cast %parallel_loop3A_445 : i32 to index
      %parallel_loop3A_454 = tpu.vector_load %arg8[%parallel_loop3A_452, %parallel_loop3A_453] {strides = array<i32>} : memref<16x1024xf32, #tpu.memory_space<vmem>>, vector<1x16xf32>,
      %parallel_loop3A_455 = vector.shape_cast %parallel_loop3A_454 : vector<1x16xf32> to vector<16xf32>
      %parallel_loop3A_456 = vector.shape_cast %parallel_loop3A_451 : vector<16xf32> to vector<1x16xf32>
      tpu.vector_store %arg8[%parallel_loop3A_452, %parallel_loop3A_453], %parallel_loop3A_456 {add = true, strides = array<i32>} : memref<16x1024xf32, #tpu.memory_space<vmem>>, vector<1x16xf32>,
    } {sc.loop_unroll_factor = 8 : i64, sc.parallel_access}
    %add3A_405 = arith.constant 6144 : i32
    %add3A_406 = arith.addi %add3A_405, %mul3A_2 : i32
    %add3A_407 = arith.constant 32 : i32
    %add3A_408 = arith.addi %add3A_406, %add3A_407 : i32
    %dma_start3A_409 = arith.constant 0 : i32
    %dma_start3A_410 = tpu.memref_slice %arg4[%add3A_408, %dma_start3A_409] : memref<8192x1024xf32, #tpu.memory_space<hbm>> -> memref<16x1024xf32, #tpu.memory_space<hbm>>
    %dma_start3A_411 = arith.constant 0 : i32
    %dma_start3A_412 = tpu.memref_slice %arg4[%add3A_408, %dma_start3A_411] : memref<8192x1024xf32, #tpu.memory_space<hbm>> -> memref<16x1024xf32, #tpu.memory_space<hbm>>
    tpu.enqueue_dma source(%arg8 : memref<16x1024xf32, #tpu.memory_space<vmem>>) target(%dma_start3A_412 : memref<16x1024xf32, #tpu.memory_space<hbm>>) target_semaphore(%arg15 : memref<!tpu.dma_semaphore, #tpu.memory_space<semaphore_mem>>)
    %dma_wait3A_413 = arith.constant 0 : i32
    %dma_wait3A_414 = tpu.memref_slice %arg2[%add3A_378, %dma_wait3A_413] : memref<8192x1024xf32, #tpu.memory_space<hbm>> -> memref<16x1024xf32, #tpu.memory_space<hbm>>
    %dma_wait3A_415 = arith.constant 0 : i32
    %dma_wait3A_416 = tpu.memref_slice %arg2[%add3A_378, %dma_wait3A_415] : memref<8192x1024xf32, #tpu.memory_space<hbm>> -> memref<16x1024xf32, #tpu.memory_space<hbm>>
    tpu.wait_dma2 semaphore(%arg10 : memref<!tpu.dma_semaphore, #tpu.memory_space<semaphore_mem>>) src(%dma_wait3A_416 : memref<16x1024xf32, #tpu.memory_space<hbm>>) dst(%arg6 : memref<16x1024xf32, #tpu.memory_space<vmem>>)
    %parallel_loop3A_417 = arith.constant 0 : i32
    %parallel_loop3A_418 = arith.constant 16384 : i32
    %parallel_loop3A_419 = arith.constant 16 : i32
    scf.for %parallel_loop3A_440 = %parallel_loop3A_417 to %parallel_loop3A_418 step %parallel_loop3A_419  : i32 {
      %parallel_loop3A_441 = arith.constant 10 : i32
      %parallel_loop3A_442 = arith.shrui %parallel_loop3A_440, %parallel_loop3A_441 : i32
      %parallel_loop3A_443 = arith.constant 1023 : i32
      %parallel_loop3A_444 = arith.andi %parallel_loop3A_440, %parallel_loop3A_443 : i32
      %parallel_loop3A_445 = tpu.assume_multiple %parallel_loop3A_444, 16 : i32
      %parallel_loop3A_446 = arith.constant 48 : i32
      %parallel_loop3A_447 = arith.addi %parallel_loop3A_446, %parallel_loop3A_442 : i32
      %parallel_loop3A_448 = arith.index_cast %parallel_loop3A_447 : i32 to index
      %parallel_loop3A_449 = arith.index_cast %parallel_loop3A_445 : i32 to index
      %parallel_loop3A_450 = tpu.vector_load %arg5[%parallel_loop3A_448, %parallel_loop3A_449] {strides = array<i32>} : memref<64x1024xf32, #tpu.memory_space<vmem>>, vector<1x16xf32>,
      %parallel_loop3A_451 = vector.shape_cast %parallel_loop3A_450 : vector<1x16xf32> to vector<16xf32>
      %parallel_loop3A_452 = arith.index_cast %parallel_loop3A_442 : i32 to index
      %parallel_loop3A_453 = arith.index_cast %parallel_loop3A_445 : i32 to index
      %parallel_loop3A_454 = tpu.vector_load %arg6[%parallel_loop3A_452, %parallel_loop3A_453] {strides = array<i32>} : memref<16x1024xf32, #tpu.memory_space<vmem>>, vector<1x16xf32>,
      %parallel_loop3A_455 = vector.shape_cast %parallel_loop3A_454 : vector<1x16xf32> to vector<16xf32>
      %parallel_loop3A_456 = vector.shape_cast %parallel_loop3A_451 : vector<16xf32> to vector<1x16xf32>
      tpu.vector_store %arg6[%parallel_loop3A_452, %parallel_loop3A_453], %parallel_loop3A_456 {add = true, strides = array<i32>} : memref<16x1024xf32, #tpu.memory_space<vmem>>, vector<1x16xf32>,
    } {sc.loop_unroll_factor = 8 : i64, sc.parallel_access}
    %add3A_420 = arith.constant 6144 : i32
    %add3A_421 = arith.addi %add3A_420, %mul3A_2 : i32
    %add3A_422 = arith.constant 48 : i32
    %add3A_423 = arith.addi %add3A_421, %add3A_422 : i32
    %dma_start3A_424 = arith.constant 0 : i32
    %dma_start3A_425 = tpu.memref_slice %arg4[%add3A_423, %dma_start3A_424] : memref<8192x1024xf32, #tpu.memory_space<hbm>> -> memref<16x1024xf32, #tpu.memory_space<hbm>>
    %dma_start3A_426 = arith.constant 0 : i32
    %dma_start3A_427 = tpu.memref_slice %arg4[%add3A_423, %dma_start3A_426] : memref<8192x1024xf32, #tpu.memory_space<hbm>> -> memref<16x1024xf32, #tpu.memory_space<hbm>>
    tpu.enqueue_dma source(%arg6 : memref<16x1024xf32, #tpu.memory_space<vmem>>) target(%dma_start3A_427 : memref<16x1024xf32, #tpu.memory_space<hbm>>) target_semaphore(%arg13 : memref<!tpu.dma_semaphore, #tpu.memory_space<semaphore_mem>>)
    %dma_wait3A_428 = arith.constant 0 : i32
    %dma_wait3A_429 = tpu.memref_slice %arg4[%add3A_393, %dma_wait3A_428] : memref<8192x1024xf32, #tpu.memory_space<hbm>> -> memref<16x1024xf32, #tpu.memory_space<hbm>>
    %dma_wait3A_430 = arith.constant 0 : i32
    %dma_wait3A_431 = tpu.memref_slice %arg4[%add3A_393, %dma_wait3A_430] : memref<8192x1024xf32, #tpu.memory_space<hbm>> -> memref<16x1024xf32, #tpu.memory_space<hbm>>
    tpu.wait_dma2 semaphore(%arg14 : memref<!tpu.dma_semaphore, #tpu.memory_space<semaphore_mem>>) src(%arg7 : memref<16x1024xf32, #tpu.memory_space<vmem>>) dst(%dma_wait3A_431 : memref<16x1024xf32, #tpu.memory_space<hbm>>)
    %dma_wait3A_432 = arith.constant 0 : i32
    %dma_wait3A_433 = tpu.memref_slice %arg4[%add3A_408, %dma_wait3A_432] : memref<8192x1024xf32, #tpu.memory_space<hbm>> -> memref<16x1024xf32, #tpu.memory_space<hbm>>
    %dma_wait3A_434 = arith.constant 0 : i32
    %dma_wait3A_435 = tpu.memref_slice %arg4[%add3A_408, %dma_wait3A_434] : memref<8192x1024xf32, #tpu.memory_space<hbm>> -> memref<16x1024xf32, #tpu.memory_space<hbm>>
    tpu.wait_dma2 semaphore(%arg15 : memref<!tpu.dma_semaphore, #tpu.memory_space<semaphore_mem>>) src(%arg8 : memref<16x1024xf32, #tpu.memory_space<vmem>>) dst(%dma_wait3A_435 : memref<16x1024xf32, #tpu.memory_space<hbm>>)
    %dma_wait3A_436 = arith.constant 0 : i32
    %dma_wait3A_437 = tpu.memref_slice %arg4[%add3A_423, %dma_wait3A_436] : memref<8192x1024xf32, #tpu.memory_space<hbm>> -> memref<16x1024xf32, #tpu.memory_space<hbm>>
    %dma_wait3A_438 = arith.constant 0 : i32
    %dma_wait3A_439 = tpu.memref_slice %arg4[%add3A_423, %dma_wait3A_438] : memref<8192x1024xf32, #tpu.memory_space<hbm>> -> memref<16x1024xf32, #tpu.memory_space<hbm>>
    tpu.wait_dma2 semaphore(%arg13 : memref<!tpu.dma_semaphore, #tpu.memory_space<semaphore_mem>>) src(%arg6 : memref<16x1024xf32, #tpu.memory_space<vmem>>) dst(%dma_wait3A_439 : memref<16x1024xf32, #tpu.memory_space<hbm>>)
    return
  }
}

</mosaic_0001>

<sc_bundles>
// kernel: _pe.3.cloned.1.call-start
scs
__scs_entry_jumppad:
0x0: {  	(pc) =	sbr.rel $0x88, $3  }
0x1: {  	(tag) =	ssettag $0x0;
	lr =	simm.s32 $0x1  }
0x2: {  	[smem:$0x3F9F] =	sst lr;
	_ =	strace $0xD0000000  }
0x3: {  	_ = 	snop  }
0x4: {  	_ = 	snop  }
0x5: {  	_ = 	snop  }
0x6: {  	_ = 	snop  }
0x7: {  	_ = 	snop  }
__scs_overlays_trampoline_lowered:
0x8: {  	[smem:$0x3FAE] =	sst s0  }
0x9: {  	[smem:$0x3FAF] =	sst s1  }
0xa: {  	[smem:$0x3FB0] =	sst s2  }
0xb: {  	[smem:$0x3FB1] =	sst s3  }
0xc: {  	[smem:$0x3FB2] =	sst s4  }
0xd: {  	[smem:$0x3FB3] =	sst s5  }
0xe: {  	[smem:$0x3FB4] =	sst s6  }
0xf: {  	[smem:$0x3FB5] =	sst s7  }
0x10: {  	[smem:$0x3FB6] =	sst s8  }
0x11: {  	[smem:$0x3FB7] =	sst s9;
	s0 =	simm.s32 @!p0 $0x0  }
0x12: {  	s1 =	sld [smem:$0x3F9D];
	s0 =	simm.s32 @p0 $0x1  }
0x13: {  	[smem:$0x3FB8] =	sst s0;
	s0 =	simm.s32 @!p1 $0x0  }
0x14: {  	s2 =	sld [smem:$0x3F9C];
	s0 =	simm.s32 @p1 $0x1  }
0x15: {  	[smem:$0x3FB9] =	sst s0;
	s0 =	simm.s32 @!p2 $0x0  }
0x16: {  	s3 =	sld [smem:$0x3FDB];
	s0 =	simm.s32 @p2 $0x1  }
0x17: {  	s4 =	simm.s32 $0x1BF5;
	[smem:$0x3FBB] =	sst s0  }
0x18: {  	s0 =	sld [smem:$0x3F9E];
	_ =	swait.ge [sflag:s4], $0x0  }
0x19: {  	s7 =	sld [smem:$0x3F9F]  }
0x1a: {  	s8 =	sadd.s32 $0xFFFFE003, lr  }
0x1b: {  	s9 =	sadd.s32 $0xFFFFFEF7, lr;
	s5 =	simm.s32 $0xFFFFFFFF;
	p2 =	slt.u32 s8, $0xFFFFF086  }
0x1c: {  	p1 =	slt.u32 s9, $0xF7A;
	s5 =	simm.s32 @!p2 $0x0  }
0x1d: {  	s5 =	simm.s32 @p1 $0x1;
	p0 =	seq.s32 s7, s2  }
0x1e: {  	s7 =	smul.u32 @!p0 $0xF7A, s2;
	p2 =	seq.s32 @!p0 s5, $0x0  }
0x1f: {  	s9 =	smul.u32 $0xF7A, s1;
	s8 =	simm.s32 @!p0 $0x1BF5;
	p2 =	por !p2, p0  }
0x20: {  	[sflag:s8] =	ssyncset.s32 @!p0 $0xFFFFF086;
	s6 =	sadd.s32 @!p0 s3, s7;
	s7 =	simm.s32 @!p0 $0x108  }
0x21: {  	s3 =	sadd.s32 s3, s9;
	s6 =	sadd.s32 @!p0 $0x88, s6;
	s7 =	simm.s32 @p2 $0x1082  }
0x22: {  	[simem:s7], [sflag:s8] =	dma.local @!p0 [hbm:s6], $0xF7A  }
0x23: {  	s9 =	sor.u32 $0xD0000000, s2;
	s6 =	simm.s32 $0x108;
	_ =	swait.ge @!p0 [sflag:s8], $0x0  }
0x24: {  	s3 =	sadd.s32 $0x88, s3;
	s6 =	simm.s32 @!p1 $0x1082;
	[sflag:s4] =	ssyncset.s32 $0xFFFFF086  }
0x25: {  	[simem:s6], [sflag:s4] =	dma.local [hbm:s3], $0xF7A  }
0x26: {  	[smem:$0x3F9F] =	sst s1;
	(tag) =	ssettag s2;
	_ =	strace s9  }
0x27: {  	s1 =	sld [smem:$0x3FAF]  }
0x28: {  	s2 =	sld [smem:$0x3FB0]  }
0x29: {  	s4 =	sld [smem:$0x3FB2]  }
0x2a: {  	p0 =	seq.s32 s5, $0x0;
	s5 =	sld [smem:$0x3FB3]  }
0x2b: {  	s6 =	sld [smem:$0x3FB4]  }
0x2c: {  	s7 =	sld [smem:$0x3FB5]  }
0x2d: {  	s3 =	simm.s32 $0x108;
	s8 =	sld [smem:$0x3FB6]  }
0x2e: {  	s3 =	simm.s32 @!p0 $0x1082;
	s9 =	sld [smem:$0x3FB7]  }
0x2f: {  	lr =	sadd.s32 s0, s3;
	s0 =	sld [smem:$0x3FAE]  }
0x30: {  	s3 =	sld [smem:$0x3FB1]  }
0x31: {  	[smem:$0x3FBA] =	sst s10  }
0x32: {  	s10 =	sld [smem:$0x3FB8];
	_ =	sdelay $0x3  }
0x33: {  	p0 =	seq.s32 s10, $0x1;
	s10 =	sld [smem:$0x3FBA];
	_ =	sdelay $0x3  }
0x34: {  	[smem:$0x3FBA] =	sst s10  }
0x35: {  	s10 =	sld [smem:$0x3FB9];
	_ =	sdelay $0x3  }
0x36: {  	p1 =	seq.s32 s10, $0x1;
	s10 =	sld [smem:$0x3FBA];
	_ =	sdelay $0x3  }
0x37: {  	[smem:$0x3FBA] =	sst s10  }
0x38: {  	s10 =	sld [smem:$0x3FBB]  }
0x39: {  	_ = 	snop;
	(pc) =	sbr.ind lr, $3  }
0x3a: {  	_ = 	snop  }
0x3b: {  	_ = 	snop  }
0x3c: {  	p2 =	seq.s32 s10, $0x1;
	s10 =	sld [smem:$0x3FBA]  }
0x3d: {  	_ =	shalt  }
0x3e: {  	_ =	shalt  }
0x3f: {  	_ =	shalt  }
0x40: {  	_ =	shalt  }
0x41: {  	_ =	shalt  }
0x42: {  	_ =	shalt  }
0x43: {  	_ =	shalt  }
0x44: {  	_ =	shalt  }
0x45: {  	_ =	shalt  }
0x46: {  	_ =	shalt  }
0x47: {  	_ =	shalt  }
0x48: {  	_ =	shalt  }
0x49: {  	_ =	shalt  }
0x4a: {  	_ =	shalt  }
0x4b: {  	_ =	shalt  }
0x4c: {  	_ =	shalt  }
0x4d: {  	_ =	shalt  }
0x4e: {  	_ =	shalt  }
0x4f: {  	_ =	shalt  }
0x50: {  	_ =	shalt  }
0x51: {  	_ =	shalt  }
0x52: {  	_ =	shalt  }
0x53: {  	_ =	shalt  }
0x54: {  	_ =	shalt  }
0x55: {  	_ =	shalt  }
0x56: {  	_ =	shalt  }
0x57: {  	_ =	shalt  }
0x58: {  	_ =	shalt  }
0x59: {  	_ =	shalt  }
0x5a: {  	_ =	shalt  }
0x5b: {  	_ =	shalt  }
0x5c: {  	_ =	shalt  }
0x5d: {  	_ =	shalt  }
0x5e: {  	_ =	shalt  }
0x5f: {  	_ =	shalt  }
0x60: {  	_ =	shalt  }
0x61: {  	_ =	shalt  }
0x62: {  	_ =	shalt  }
0x63: {  	_ =	shalt  }
0x64: {  	_ =	shalt  }
0x65: {  	_ =	shalt  }
0x66: {  	_ =	shalt  }
0x67: {  	_ =	shalt  }
0x68: {  	_ =	shalt  }
0x69: {  	_ =	shalt  }
0x6a: {  	_ =	shalt  }
0x6b: {  	_ =	shalt  }
0x6c: {  	_ =	shalt  }
0x6d: {  	_ =	shalt  }
0x6e: {  	_ =	shalt  }
0x6f: {  	_ =	shalt  }
0x70: {  	_ =	shalt  }
0x71: {  	_ =	shalt  }
0x72: {  	_ =	shalt  }
0x73: {  	_ =	shalt  }
0x74: {  	_ =	shalt  }
0x75: {  	_ =	shalt  }
0x76: {  	_ =	shalt  }
0x77: {  	_ =	shalt  }
0x78: {  	_ =	shalt  }
0x79: {  	_ =	shalt  }
0x7a: {  	_ =	shalt  }
0x7b: {  	_ =	shalt  }
0x7c: {  	_ =	shalt  }
0x7d: {  	_ =	shalt  }
0x7e: {  	_ =	shalt  }
0x7f: {  	_ =	shalt  }
0x80: {  	_ =	shalt  }
0x81: {  	_ =	shalt  }
0x82: {  	_ =	shalt  }
0x83: {  	_ =	shalt  }
0x84: {  	_ =	shalt  }
0x85: {  	_ =	shalt  }
0x86: {  	_ =	shalt  }
0x87: {  	_ =	shalt  }
.Lfunc_end0:
.L_simem_size_0:
called_computation_lowered:
.L_overlay_start_0:
0x88: {  	s2 =	sld [smem:$0x3FD9]  }
0x89: {  	s3 =	sld [smem:$0x3FFE];
	_ =	sdelay $0x1  }
0x8a: {  	s1 =	srdreg.scid  }
0x8b: {  	s0 =	sand.u32 $0x1, s1  }
0x8c: {  	s18 =	sshll.u32 s0, $0xA;
	s2 =	sadd.s32 s3, s2  }
0x8d: {  	s2 =	sadd.s32 s2, s18  }
0x8e: {  	[smem:$0x3FC6] =	sst s2  }
0x8f: {  	_ = 	snop  }
0x90: {  	s2 =	sld [smem:$0x3FC9]  }
0x91: {  	s19 =	sld [smem:$0x3FC8]  }
0x92: {  	s4 =	sld [smem:$0x3FD0];
	(tm) =	ssettm $0x1  }
0x93: {  	s5 =	sld [smem:$0x3FFB];
	_ =	sdelay $0x3  }
0x94: {  	_ =	strace s5  }
0x95: {  	s5 =	sld [smem:$0x3FFC];
	_ =	sdelay $0x3  }
0x96: {  	_ =	strace s5  }
0x97: {  	s5 =	sld [smem:$0x3FFD];
	_ =	sdelay $0x3  }
0x98: {  	_ =	strace s5  }
0x99: {  	_ =	strace $0x8FFFFFFF  }
0x9a: {  	s20 =	sld [smem:$0x3FDB];
	_ =	sdelay $0x1  }
0x9b: {  	s6 =	simm.s32 $_scs_section_size  }
0x9c: {  	s7 =	simm.s32 $_size__tile_overlayer_lowered;
	s8 =	simm.s32 $_tile_overlayer_lowered  }
0x9d: {  	s23 =	simm.s32 $0x1BFF;
	s22 =	sshll.u32 s8, $0x1;
	s5 =	sadd.s32 s6, s20  }
0x9e: {  	s9 =	simm.s32 $0x0;
	s21 =	sshll.u32 s7, $0x1;
	s7 =	sadd.s32 s22, s5  }
0x9f: {  	[timem:s9], [sflag:s23] =	dma.local [hbm:s7], s21  }
0xa0: {  	_ =	swait.ge [sflag:s23], s21  }
0xa1: {  	s6 =	ssub.s32 $0x0, s21;
	[sflag:s23] =	ssyncset.done $0x0  }
0xa2: {  	[sflag:s23] =	ssyncadd.s32 s6;
	_ =	sdelay $0x1  }
0xa3: {  	s24 =	simm.s32 $0x1B8B  }
0xa4: {  	_ =	swait.ge [sflag:s24], $0x1  }
0xa5: {  	[sflag:s24] =	ssyncset.done $0x0  }
0xa6: {  	s25 =	simm.s32 $0x1B8E;
	[sflag:s24] =	ssyncadd.s32 $0xFFFFFFFF  }
0xa7: {  	s26 =	simm.s32 $execute0_lowered;
	[smem:$0x3FD2] =	sst s25  }
0xa8: {  	s6 =	sshll.u32 s26, $0x1;
	_ =	strace $0x80000046;
	[dreg:$0x1] =	wrdreg $0xFFFFFFFF  }
0xa9: {  	s28 =	simm.s32 $_size_execute0_lowered;
	s5 =	sadd.s32 s5, s6;
	[dreg:$0x0] =	wrdreg $0x0  }
0xaa: {  	s6 =	sshll.u32 s28, $0x1;
	[dreg:$0x2] =	wrdreg s5  }
0xab: {  	[dreg:$0x3] =	wrdreg s6  }
0xac: {  	[dreg:$0x4] =	wrdreg $0xC0  }
0xad: {  	_ =	task [dreg:s9], $0x5FFFF  }
0xae: {  	[dreg:$0x1] =	wrdreg $0xFFFFFFFF  }
0xaf: {  	[dreg:$0x0] =	wrdreg $0x60  }
0xb0: {  	[dreg:$0x2] =	wrdreg s2  }
0xb1: {  	[dreg:$0x3] =	wrdreg s19  }
0xb2: {  	[dreg:$0x4] =	wrdreg s4  }
0xb3: {  	[dreg:$0x5] =	wrdreg $0x9  }
0xb4: {  	_ =	task.clear_ibuf [dreg:s9], $0x6FFFF;
	_ =	strace $0x90000046  }
0xb5: {  	s29 =	simm.s32 $0x9;
	_ =	strace $0x80000048  }
0xb6: {  	_ =	swait.ge [sflag:s29], $0x1  }
0xb7: {  	[sflag:s29] =	ssyncadd.s32 $0xFFFFFFFF  }
0xb8: {  	_ =	strace $0x90000048  }
0xb9: {  	_ =	sfence  }
0xba: {  	s30 =	sld [smem:$0x0];
	_ =	sdelay $0x2  }
0xbb: {  	s31 =	sshll.u32 s1, $0xD;
	s1 =	sshrl.u32 s1, $0x2  }
0xbc: {  	s3 =	sand.u32 $0x4000, s31;
	s1 =	sadd.s32 s1, s30  }
0xbd: {  	s0 =	sor.u32 s3, s0;
	s1 =	sshll.u32 s1, $0x11  }
0xbe: {  	s0 =	sor.u32 s1, s0  }
0xbf: {  	s0 =	sadd.s32 $0x8F2B, s0  }
0xc0: {  	[sflag:s0] =	ssyncadd.remote.s32 $0x1  }
0xc1: {  	_ =	sfence.sel $0xFFFF  }
0xc2: {  	[dreg:$0x0] =	wrdreg $0xFFFFFFFF;
	(pc) =	sbr.abs _section_cstart, $3  }
0xc3: {  	[dreg:$0x1] =	wrdreg $0xFFFFFFFF  }
0xc4: {  	_ =	task.clear_ibuf [dreg:s9], $0x2FFFF;
	_ =	strace $0x9FFFFFFF  }
0xc5: {  	(tm) =	ssettm $0x7FFFFFFF  }
tec
execute0_lowered:
.L_overlay_start_1:
0x0: {  	(tag) =	ssettag $0x1  }
0x1: {  	s0 =	rddreg [dreg:$0x0]  }
0x2: {  	s2 =	rddreg [dreg:$0x1]  }
0x3: {  	s4 =	rddreg [dreg:$0x2];
	s3 =	srdreg.scid  }
0x4: {  	s1 =	simm.s32 $0x0;
	s6 =	stileid.u32;
	s3 =	sand.u32 $0x1, s3  }
0x5: {  	s6 =	sshll.u32 s6, $0xE;
	s5 =	ssub.s32 $0x2, s3;
	s3 =	sshll.u32 s3, $0xD  }
0x6: {  	[smem:$0x7FF] =	sst s1;
	s3 =	sor.u32 s3, s6  }
0x7: {  	s7 =	sshrl.u32 s5, $0x1;
	s2 =	sadd.s32 s2, s3;
	s18 =	sor.u32 $0x800, s3  }
0x8: {  	s20 =	sor.u32 $0x1000, s3;
	[dreg:$0x4] =	wrdreg s2;
	s19 =	sadd.s32 s0, s18  }
0x9: {  	s21 =	sor.u32 $0x1800, s3;
	s8 =	sadd.s32 s0, s20;
	[dreg:$0x5] =	wrdreg s19  }
0xa: {  	s5 =	ssub.s32 s5, s7;
	s22 =	sadd.s32 s0, s21;
	[dreg:$0x6] =	wrdreg s8  }
0xb: {  	s23 =	sor.u32 $0x40000, s3;
	s2 =	sadd.s32 s4, s18;
	[dreg:$0x7] =	wrdreg s22  }
0xc: {  	s25 =	sor.u32 $0x40800, s3;
	s24 =	sadd.s32 s0, s23;
	[dreg:$0x8] =	wrdreg s2  }
0xd: {  	s28 =	sor.u32 $0x41000, s3;
	s6 =	sadd.s32 s4, s20;
	[dreg:$0x9] =	wrdreg s24  }
0xe: {  	s9 =	sor.u32 $0x41800, s3;
	s26 =	sadd.s32 s0, s25;
	[dreg:$0xa] =	wrdreg s6  }
0xf: {  	s11 =	sor.u32 $0x80000, s3;
	s7 =	sadd.s32 s4, s21;
	[dreg:$0xb] =	wrdreg s26  }
0x10: {  	s13 =	sor.u32 $0x80800, s3;
	s29 =	sadd.s32 s0, s28;
	[dreg:$0xc] =	wrdreg s7  }
0x11: {  	s16 =	sor.u32 $0x81000, s3;
	s10 =	sadd.s32 s0, s9;
	[dreg:$0xd] =	wrdreg s29  }
0x12: {  	s12 =	sadd.s32 s0, s11;
	s14 =	sadd.s32 s0, s13;
	[dreg:$0xf] =	wrdreg s10  }
0x13: {  	s15 =	sadd.s32 s4, s9;
	s17 =	sadd.s32 s4, s11;
	[dreg:$0x11] =	wrdreg s12  }
0x14: {  	s18 =	sadd.s32 s0, s16;
	s20 =	sor.u32 $0x81800, s3;
	[dreg:$0x13] =	wrdreg s14  }
0x15: {  	s5 =	smax.u32 s5, $0x1;
	s9 =	simm.s32 $0x18000;
	[dreg:$0x14] =	wrdreg s15  }
0x16: {  	s11 =	simm.s32 $0x5;
	s8 =	sadd.s32 s4, s23;
	[dreg:$0x15] =	wrdreg s17  }
0x17: {  	s2 =	sadd.s32 s4, s25;
	s6 =	sadd.s32 s4, s28;
	[dreg:$0x17] =	wrdreg s18  }
0x18: {  	s19 =	sadd.s32 s4, s16;
	s21 =	sadd.s32 s0, s20;
	s22 =	sor.u32 $0xC0000, s3  }
0x19: {  	s24 =	sadd.s32 s0, s3;
	s25 =	sadd.s32 s4, s3;
	[dreg:$0xe] =	wrdreg s8  }
0x1a: {  	s26 =	sor.u32 $0xC0800, s3;
	s28 =	sor.u32 $0xC1000, s3;
	[dreg:$0x10] =	wrdreg s2  }
0x1b: {  	s29 =	sor.u32 $0xC1800, s3;
	s7 =	simm.s32 $0x14000;
	[dreg:$0x12] =	wrdreg s6  }
0x1c: {  	s10 =	simm.s32 $0x2;
	s12 =	simm.s32 $0x3;
	[dreg:$0x18] =	wrdreg s19  }
0x1d: {  	s14 =	simm.s32 $0x4;
	s15 =	simm.s32 $0x7;
	[dreg:$0x19] =	wrdreg s21  }
0x1e: {  	s16 =	simm.s32 $0x0;
	s2 =	sadd.s32 s4, s13;
	[dreg:$0x1d] =	wrdreg s24  }
0x1f: {  	s23 =	sadd.s32 s0, s22;
	[dreg:$0x1e] =	wrdreg s25;
	s31 =	sadd.s32 s0, s26  }
0x20: {  	s30 =	sadd.s32 s0, s28;
	s0 =	sadd.s32 s0, s29;
	[dreg:$0x16] =	wrdreg s2  }
0x21: {  	s3 =	sadd.s32 s4, s28;
	s2 =	sadd.s32 s4, s20;
	[dreg:$0x1b] =	wrdreg s23  }
0x22: {  	s6 =	simm.s32 $0x10000;
	[dreg:$0x1a] =	wrdreg s2;
	s2 =	sadd.s32 s4, s22  }
0x23: {  	s8 =	simm.s32 $0x1;
	s13 =	simm.s32 $0x6;
	[dreg:$0x1c] =	wrdreg s2  }
0x24: {  	s2 =	sadd.s32 s4, s26;
	s4 =	sadd.s32 s4, s29;
	_ =	strace $0x80000047  }
.LBB2_1:
0x25: {  	s17 =	rddreg [dreg:$0x4]  }
0x26: {  	[tilespmem:s1], [sflag:$0x1] =	stream.linear.gather [hbm4b:s17+s1], $0x10000, $0x38;
	[tilespmem:$0x1C000] =	vst v63  }
0x27: {  	s24 =	rddreg [dreg:$0x1d]  }
0x28: {  	[tilespmem:s6], [sflag:$0x2] =	stream.linear.gather [hbm4b:s24+s1], $0x4000, $0x38;
	[tilespmem:$0x1C000] =	vst v63  }
0x29: {  	s25 =	rddreg [dreg:$0x5]  }
0x2a: {  	[tilespmem:s7], [sflag:$0x3] =	stream.linear.gather [hbm4b:s25+s1], $0x4000, $0x38;
	[tilespmem:$0x1C000] =	vst v63  }
0x2b: {  	_ =	swait.ge [sflag:s8], $0x10000  }
0x2c: {  	[sflag:s8] =	ssyncset.done $0x0  }
0x2d: {  	s17 =	simm.s32 $0x0;
	s26 =	rddreg [dreg:$0x6];
	[sflag:s8] =	ssyncadd.s32 $0xFFFF0000  }
0x2e: {  	[tilespmem:s9], [sflag:$0x4] =	stream.linear.gather [hbm4b:s26+s1], $0x4000, $0x38;
	[tilespmem:$0x1C000] =	vst v63  }
0x2f: {  	s19 =	sand.u32 $0x1C00, s1;
	s18 =	sand.u32 $0x2000, s17;
	_ =	swait.ge [sflag:s10], $0x4000  }
0x30: {  	s28 =	sand.u32 $0x380, s1;
	s18 =	sor.u32 s18, s19;
	[sflag:s10] =	ssyncset.done $0x0  }
0x31: {  	s18 =	sor.u32 s28, s18;
	[sflag:s10] =	ssyncadd.s32 $0xFFFFC000  }
0x32: {  	v0 =	vld [tilespmem:s18+$0x70]  }
0x33: {  	v4 =	vld [tilespmem:s18+$0x0]  }
0x34: {  	v5 =	vld [tilespmem:s18+$0x10]  }
0x35: {  	v6 =	vld [tilespmem:s18+$0x20]  }
0x36: {  	v2 =	vld [tilespmem:s18+$0x30]  }
0x37: {  	v3 =	vld [tilespmem:s18+$0x40]  }
0x38: {  	s19 =	sor.u32 $0x10070, s18;
	v1 =	vld [tilespmem:s18+$0x60]  }
0x39: {  	[tilespmem:s19+$0x0] =	vst.add.f32.msk $0xffff, v0  }
0x3a: {  	s29 =	sor.u32 $0x10000, s18;
	v0 =	vld [tilespmem:s18+$0x50]  }
0x3b: {  	s21 =	sor.u32 $0x10010, s18;
	s24 =	sor.u32 $0x10020, s18;
	[tilespmem:s29+$0x0] =	vst.add.f32.msk $0xffff, v4  }
0x3c: {  	s23 =	sor.u32 $0x10030, s18;
	s22 =	sor.u32 $0x10040, s18;
	s20 =	sor.u32 $0x10050, s18;
	[tilespmem:s21+$0x0] =	vst.add.f32.msk $0xffff, v5  }
0x3d: {  	s21 =	sor.u32 $0x10060, s18;
	[tilespmem:s24+$0x0] =	vst.add.f32.msk $0xffff, v6;
	s18 =	simm.s32 $0x0;
	s19 =	simm.s32 $0x0  }
.LBB2_2:
0x3e: {  	s17 =	sadd.s32 $0x80, s17;
	[tilespmem:s23+$0x0] =	vst.add.f32.msk $0xffff, v2;
	s18 =	sadd.s32 $0x400, s18  }
0x3f: {  	s19 =	sadd.s32 $0x10, s19;
	s23 =	sand.u32 $0x2000, s17;
	s24 =	sand.u32 $0x1C00, s18;
	[tilespmem:s22+$0x0] =	vst.add.f32.msk $0xffff, v3  }
0x40: {  	p0 =	slt.u32 s17, $0x3F80;
	s22 =	sor.u32 s23, s24;
	s23 =	sand.u32 $0x380, s19;
	[tilespmem:s20+$0x0] =	vst.add.f32.msk $0xffff, v0  }
0x41: {  	s24 =	sor.u32 s23, s22;
	[tilespmem:s21+$0x0] =	vst.add.f32.msk $0xffff, v1  }
0x42: {  	s25 =	sor.u32 $0x10000, s24;
	s26 =	sor.u32 $0x10010, s24;
	s28 =	sor.u32 $0x10020, s24;
	v0 =	vld [tilespmem:s24+$0x70]  }
0x43: {  	s23 =	sor.u32 $0x10030, s24;
	s22 =	sor.u32 $0x10040, s24;
	s20 =	sor.u32 $0x10050, s24;
	v4 =	vld [tilespmem:s24+$0x0]  }
0x44: {  	s21 =	sor.u32 $0x10060, s24;
	v5 =	vld [tilespmem:s24+$0x10]  }
0x45: {  	v6 =	vld [tilespmem:s24+$0x20]  }
0x46: {  	s29 =	sor.u32 $0x10070, s24;
	v2 =	vld [tilespmem:s24+$0x30]  }
0x47: {  	[tilespmem:s29+$0x0] =	vst.add.f32.msk $0xffff, v0  }
0x48: {  	v3 =	vld [tilespmem:s24+$0x40]  }
.Ltmp0:
0x49: {  	v0 =	vld [tilespmem:s24+$0x50];
	(pc) =	sbr.rel @p0 .LBB2_2-.Ltmp0, $4  }
0x4a: {  	v1 =	vld [tilespmem:s24+$0x60]  }
0x4b: {  	[tilespmem:s25+$0x0] =	vst.add.f32.msk $0xffff, v4  }
0x4c: {  	[tilespmem:s26+$0x0] =	vst.add.f32.msk $0xffff, v5  }
0x4d: {  	[tilespmem:s28+$0x0] =	vst.add.f32.msk $0xffff, v6  }
0x4e: {  	[tilespmem:s23+$0x0] =	vst.add.f32.msk $0xffff, v2  }
0x4f: {  	[tilespmem:s22+$0x0] =	vst.add.f32.msk $0xffff, v3  }
0x50: {  	[tilespmem:s20+$0x0] =	vst.add.f32.msk $0xffff, v0  }
0x51: {  	[tilespmem:s21+$0x0] =	vst.add.f32.msk $0xffff, v1  }
0x52: {  	s17 =	simm.s32 $0x0;
	s18 =	rddreg [dreg:$0x1e]  }
0x53: {  	[hbm4b:s18+s17] =	stream.linear.scatter [tilespmem:s6], [sflag:$0x5], $0x4000, $0x38;
	[tilespmem:$0x1C000] =	vst v63  }
0x54: {  	_ =	swait.ge [sflag:s11], $0x4000  }
0x55: {  	[sflag:s11] =	ssyncset.done $0x0  }
0x56: {  	s18 =	simm.s32 $0x0;
	s24 =	rddreg [dreg:$0x7];
	[sflag:s11] =	ssyncadd.s32 $0xFFFFC000  }
0x57: {  	[tilespmem:s6], [sflag:$0x2] =	stream.linear.gather [hbm4b:s24+s17], $0x4000, $0x38;
	[tilespmem:$0x1C000] =	vst v63  }
0x58: {  	s25 =	sand.u32 $0x380, s17;
	s19 =	sand.u32 $0x2000, s18;
	_ =	swait.ge [sflag:s12], $0x4000  }
0x59: {  	s26 =	sand.u32 $0x1C00, s17;
	s19 =	sor.u32 s25, s19;
	[sflag:s12] =	ssyncset.done $0x0  }
0x5a: {  	s19 =	sor.u32 s26, s19;
	[sflag:s12] =	ssyncadd.s32 $0xFFFFC000  }
0x5b: {  	v0 =	vld [tilespmem:s19+$0x4070]  }
0x5c: {  	v4 =	vld [tilespmem:s19+$0x4000]  }
0x5d: {  	v5 =	vld [tilespmem:s19+$0x4010]  }
0x5e: {  	v6 =	vld [tilespmem:s19+$0x4020]  }
0x5f: {  	v2 =	vld [tilespmem:s19+$0x4030]  }
0x60: {  	v3 =	vld [tilespmem:s19+$0x4040]  }
0x61: {  	s28 =	sor.u32 $0x14070, s19;
	v1 =	vld [tilespmem:s19+$0x4060]  }
0x62: {  	[tilespmem:s28+$0x0] =	vst.add.f32.msk $0xffff, v0  }
0x63: {  	s29 =	sor.u32 $0x14000, s19;
	v0 =	vld [tilespmem:s19+$0x4050]  }
0x64: {  	s21 =	sor.u32 $0x14010, s19;
	[tilespmem:s29+$0x0] =	vst.add.f32.msk $0xffff, v4  }
0x65: {  	s24 =	sor.u32 $0x14020, s19;
	s23 =	sor.u32 $0x14030, s19;
	s22 =	sor.u32 $0x14040, s19;
	[tilespmem:s21+$0x0] =	vst.add.f32.msk $0xffff, v5  }
0x66: {  	s20 =	sor.u32 $0x14050, s19;
	s21 =	sor.u32 $0x14060, s19;
	[tilespmem:s24+$0x0] =	vst.add.f32.msk $0xffff, v6;
	s19 =	simm.s32 $0x0  }
.LBB2_4:
0x67: {  	s18 =	sadd.s32 $0x80, s18;
	[tilespmem:s23+$0x0] =	vst.add.f32.msk $0xffff, v2;
	s17 =	sadd.s32 $0x10, s17  }
0x68: {  	s19 =	sadd.s32 $0x400, s19;
	s23 =	sand.u32 $0x2000, s18;
	s24 =	sand.u32 $0x380, s17;
	[tilespmem:s22+$0x0] =	vst.add.f32.msk $0xffff, v3  }
0x69: {  	s22 =	sand.u32 $0x1C00, s19;
	p0 =	slt.u32 s18, $0x3F80;
	s23 =	sor.u32 s24, s23;
	[tilespmem:s20+$0x0] =	vst.add.f32.msk $0xffff, v0  }
0x6a: {  	s24 =	sor.u32 s22, s23;
	[tilespmem:s21+$0x0] =	vst.add.f32.msk $0xffff, v1  }
0x6b: {  	s25 =	sor.u32 $0x14000, s24;
	s26 =	sor.u32 $0x14010, s24;
	s28 =	sor.u32 $0x14020, s24;
	v0 =	vld [tilespmem:s24+$0x4070]  }
0x6c: {  	s23 =	sor.u32 $0x14030, s24;
	s22 =	sor.u32 $0x14040, s24;
	s20 =	sor.u32 $0x14050, s24;
	v4 =	vld [tilespmem:s24+$0x4000]  }
0x6d: {  	s21 =	sor.u32 $0x14060, s24;
	v5 =	vld [tilespmem:s24+$0x4010]  }
0x6e: {  	v6 =	vld [tilespmem:s24+$0x4020]  }
0x6f: {  	s29 =	sor.u32 $0x14070, s24;
	v2 =	vld [tilespmem:s24+$0x4030]  }
0x70: {  	[tilespmem:s29+$0x0] =	vst.add.f32.msk $0xffff, v0  }
0x71: {  	v3 =	vld [tilespmem:s24+$0x4040]  }
.Ltmp1:
0x72: {  	v0 =	vld [tilespmem:s24+$0x4050];
	(pc) =	sbr.rel @p0 .LBB2_4-.Ltmp1, $4  }
0x73: {  	v1 =	vld [tilespmem:s24+$0x4060]  }
0x74: {  	[tilespmem:s25+$0x0] =	vst.add.f32.msk $0xffff, v4  }
0x75: {  	[tilespmem:s26+$0x0] =	vst.add.f32.msk $0xffff, v5  }
0x76: {  	[tilespmem:s28+$0x0] =	vst.add.f32.msk $0xffff, v6  }
0x77: {  	[tilespmem:s23+$0x0] =	vst.add.f32.msk $0xffff, v2  }
0x78: {  	[tilespmem:s22+$0x0] =	vst.add.f32.msk $0xffff, v3  }
0x79: {  	[tilespmem:s20+$0x0] =	vst.add.f32.msk $0xffff, v0  }
0x7a: {  	[tilespmem:s21+$0x0] =	vst.add.f32.msk $0xffff, v1  }
0x7b: {  	s17 =	simm.s32 $0x0;
	s18 =	rddreg [dreg:$0x8]  }
0x7c: {  	[hbm4b:s18+s17] =	stream.linear.scatter [tilespmem:s7], [sflag:$0x6], $0x4000, $0x38;
	[tilespmem:$0x1C000] =	vst v63  }
0x7d: {  	_ =	swait.ge [sflag:s13], $0x4000  }
0x7e: {  	[sflag:s13] =	ssyncset.done $0x0  }
0x7f: {  	s18 =	simm.s32 $0x0;
	s24 =	rddreg [dreg:$0x9];
	[sflag:s13] =	ssyncadd.s32 $0xFFFFC000  }
0x80: {  	[tilespmem:s7], [sflag:$0x3] =	stream.linear.gather [hbm4b:s24+s17], $0x4000, $0x38;
	[tilespmem:$0x1C000] =	vst v63  }
0x81: {  	s25 =	sand.u32 $0x380, s17;
	s19 =	sand.u32 $0x2000, s18;
	_ =	swait.ge [sflag:s14], $0x4000  }
0x82: {  	s26 =	sand.u32 $0x1C00, s17;
	s19 =	sor.u32 s25, s19;
	[sflag:s14] =	ssyncset.done $0x0  }
0x83: {  	s19 =	sor.u32 s26, s19;
	[sflag:s14] =	ssyncadd.s32 $0xFFFFC000  }
0x84: {  	v0 =	vld [tilespmem:s19+$0x8070]  }
0x85: {  	v4 =	vld [tilespmem:s19+$0x8000]  }
0x86: {  	v5 =	vld [tilespmem:s19+$0x8010]  }
0x87: {  	v6 =	vld [tilespmem:s19+$0x8020]  }
0x88: {  	v2 =	vld [tilespmem:s19+$0x8030]  }
0x89: {  	v3 =	vld [tilespmem:s19+$0x8040]  }
0x8a: {  	s28 =	sor.u32 $0x18070, s19;
	v1 =	vld [tilespmem:s19+$0x8060]  }
0x8b: {  	[tilespmem:s28+$0x0] =	vst.add.f32.msk $0xffff, v0  }
0x8c: {  	s29 =	sor.u32 $0x18000, s19;
	v0 =	vld [tilespmem:s19+$0x8050]  }
0x8d: {  	s21 =	sor.u32 $0x18010, s19;
	[tilespmem:s29+$0x0] =	vst.add.f32.msk $0xffff, v4  }
0x8e: {  	s24 =	sor.u32 $0x18020, s19;
	s23 =	sor.u32 $0x18030, s19;
	s22 =	sor.u32 $0x18040, s19;
	[tilespmem:s21+$0x0] =	vst.add.f32.msk $0xffff, v5  }
0x8f: {  	s20 =	sor.u32 $0x18050, s19;
	s21 =	sor.u32 $0x18060, s19;
	[tilespmem:s24+$0x0] =	vst.add.f32.msk $0xffff, v6;
	s19 =	simm.s32 $0x0  }
.LBB2_6:
0x90: {  	s18 =	sadd.s32 $0x80, s18;
	[tilespmem:s23+$0x0] =	vst.add.f32.msk $0xffff, v2;
	s17 =	sadd.s32 $0x10, s17  }
0x91: {  	s19 =	sadd.s32 $0x400, s19;
	s23 =	sand.u32 $0x2000, s18;
	s24 =	sand.u32 $0x380, s17;
	[tilespmem:s22+$0x0] =	vst.add.f32.msk $0xffff, v3  }
0x92: {  	s22 =	sand.u32 $0x1C00, s19;
	p0 =	slt.u32 s18, $0x3F80;
	s23 =	sor.u32 s24, s23;
	[tilespmem:s20+$0x0] =	vst.add.f32.msk $0xffff, v0  }
0x93: {  	s24 =	sor.u32 s22, s23;
	[tilespmem:s21+$0x0] =	vst.add.f32.msk $0xffff, v1  }
0x94: {  	s25 =	sor.u32 $0x18000, s24;
	s26 =	sor.u32 $0x18010, s24;
	s28 =	sor.u32 $0x18020, s24;
	v0 =	vld [tilespmem:s24+$0x8070]  }
0x95: {  	s23 =	sor.u32 $0x18030, s24;
	s22 =	sor.u32 $0x18040, s24;
	s20 =	sor.u32 $0x18050, s24;
	v4 =	vld [tilespmem:s24+$0x8000]  }
0x96: {  	s21 =	sor.u32 $0x18060, s24;
	v5 =	vld [tilespmem:s24+$0x8010]  }
0x97: {  	v6 =	vld [tilespmem:s24+$0x8020]  }
0x98: {  	s29 =	sor.u32 $0x18070, s24;
	v2 =	vld [tilespmem:s24+$0x8030]  }
0x99: {  	[tilespmem:s29+$0x0] =	vst.add.f32.msk $0xffff, v0  }
0x9a: {  	v3 =	vld [tilespmem:s24+$0x8040]  }
.Ltmp2:
0x9b: {  	v0 =	vld [tilespmem:s24+$0x8050];
	(pc) =	sbr.rel @p0 .LBB2_6-.Ltmp2, $4  }
0x9c: {  	v1 =	vld [tilespmem:s24+$0x8060]  }
0x9d: {  	[tilespmem:s25+$0x0] =	vst.add.f32.msk $0xffff, v4  }
0x9e: {  	[tilespmem:s26+$0x0] =	vst.add.f32.msk $0xffff, v5  }
0x9f: {  	[tilespmem:s28+$0x0] =	vst.add.f32.msk $0xffff, v6  }
0xa0: {  	[tilespmem:s23+$0x0] =	vst.add.f32.msk $0xffff, v2  }
0xa1: {  	[tilespmem:s22+$0x0] =	vst.add.f32.msk $0xffff, v3  }
0xa2: {  	[tilespmem:s20+$0x0] =	vst.add.f32.msk $0xffff, v0  }
0xa3: {  	[tilespmem:s21+$0x0] =	vst.add.f32.msk $0xffff, v1  }
0xa4: {  	s17 =	simm.s32 $0x0;
	s18 =	rddreg [dreg:$0xa]  }
0xa5: {  	[hbm4b:s18+s17] =	stream.linear.scatter [tilespmem:s9], [sflag:$0x7], $0x4000, $0x38;
	[tilespmem:$0x1C000] =	vst v63  }
0xa6: {  	_ =	swait.ge [sflag:s15], $0x4000  }
0xa7: {  	[sflag:s15] =	ssyncset.done $0x0  }
0xa8: {  	s18 =	simm.s32 $0x0;
	s24 =	rddreg [dreg:$0xb];
	[sflag:s15] =	ssyncadd.s32 $0xFFFFC000  }
0xa9: {  	[tilespmem:s9], [sflag:$0x4] =	stream.linear.gather [hbm4b:s24+s17], $0x4000, $0x38;
	[tilespmem:$0x1C000] =	vst v63  }
0xaa: {  	s25 =	sand.u32 $0x380, s17;
	s19 =	sand.u32 $0x2000, s18;
	_ =	swait.ge [sflag:s10], $0x4000  }
0xab: {  	s26 =	sand.u32 $0x1C00, s17;
	s19 =	sor.u32 s25, s19;
	[sflag:s10] =	ssyncset.done $0x0  }
0xac: {  	s19 =	sor.u32 s26, s19;
	[sflag:s10] =	ssyncadd.s32 $0xFFFFC000  }
0xad: {  	v0 =	vld [tilespmem:s19+$0xC070]  }
0xae: {  	v4 =	vld [tilespmem:s19+$0xC000]  }
0xaf: {  	v5 =	vld [tilespmem:s19+$0xC010]  }
0xb0: {  	v6 =	vld [tilespmem:s19+$0xC020]  }
0xb1: {  	v2 =	vld [tilespmem:s19+$0xC030]  }
0xb2: {  	v3 =	vld [tilespmem:s19+$0xC040]  }
0xb3: {  	s28 =	sor.u32 $0x10070, s19;
	v1 =	vld [tilespmem:s19+$0xC060]  }
0xb4: {  	[tilespmem:s28+$0x0] =	vst.add.f32.msk $0xffff, v0  }
0xb5: {  	s29 =	sor.u32 $0x10000, s19;
	v0 =	vld [tilespmem:s19+$0xC050]  }
0xb6: {  	s21 =	sor.u32 $0x10010, s19;
	[tilespmem:s29+$0x0] =	vst.add.f32.msk $0xffff, v4  }
0xb7: {  	s24 =	sor.u32 $0x10020, s19;
	s23 =	sor.u32 $0x10030, s19;
	s22 =	sor.u32 $0x10040, s19;
	[tilespmem:s21+$0x0] =	vst.add.f32.msk $0xffff, v5  }
0xb8: {  	s20 =	sor.u32 $0x10050, s19;
	s21 =	sor.u32 $0x10060, s19;
	[tilespmem:s24+$0x0] =	vst.add.f32.msk $0xffff, v6;
	s19 =	simm.s32 $0x0  }
.LBB2_8:
0xb9: {  	s18 =	sadd.s32 $0x80, s18;
	[tilespmem:s23+$0x0] =	vst.add.f32.msk $0xffff, v2;
	s17 =	sadd.s32 $0x10, s17  }
0xba: {  	s19 =	sadd.s32 $0x400, s19;
	s23 =	sand.u32 $0x2000, s18;
	s24 =	sand.u32 $0x380, s17;
	[tilespmem:s22+$0x0] =	vst.add.f32.msk $0xffff, v3  }
0xbb: {  	s22 =	sand.u32 $0x1C00, s19;
	p0 =	slt.u32 s18, $0x3F80;
	s23 =	sor.u32 s24, s23;
	[tilespmem:s20+$0x0] =	vst.add.f32.msk $0xffff, v0  }
0xbc: {  	s24 =	sor.u32 s22, s23;
	[tilespmem:s21+$0x0] =	vst.add.f32.msk $0xffff, v1  }
0xbd: {  	s25 =	sor.u32 $0x10000, s24;
	s26 =	sor.u32 $0x10010, s24;
	s28 =	sor.u32 $0x10020, s24;
	v0 =	vld [tilespmem:s24+$0xC070]  }
0xbe: {  	s23 =	sor.u32 $0x10030, s24;
	s22 =	sor.u32 $0x10040, s24;
	s20 =	sor.u32 $0x10050, s24;
	v4 =	vld [tilespmem:s24+$0xC000]  }
0xbf: {  	s21 =	sor.u32 $0x10060, s24;
	v5 =	vld [tilespmem:s24+$0xC010]  }
0xc0: {  	v6 =	vld [tilespmem:s24+$0xC020]  }
0xc1: {  	s29 =	sor.u32 $0x10070, s24;
	v2 =	vld [tilespmem:s24+$0xC030]  }
0xc2: {  	[tilespmem:s29+$0x0] =	vst.add.f32.msk $0xffff, v0  }
0xc3: {  	v3 =	vld [tilespmem:s24+$0xC040]  }
.Ltmp3:
0xc4: {  	v0 =	vld [tilespmem:s24+$0xC050];
	(pc) =	sbr.rel @p0 .LBB2_8-.Ltmp3, $4  }
0xc5: {  	v1 =	vld [tilespmem:s24+$0xC060]  }
0xc6: {  	[tilespmem:s25+$0x0] =	vst.add.f32.msk $0xffff, v4  }
0xc7: {  	[tilespmem:s26+$0x0] =	vst.add.f32.msk $0xffff, v5  }
0xc8: {  	[tilespmem:s28+$0x0] =	vst.add.f32.msk $0xffff, v6  }
0xc9: {  	[tilespmem:s23+$0x0] =	vst.add.f32.msk $0xffff, v2  }
0xca: {  	[tilespmem:s22+$0x0] =	vst.add.f32.msk $0xffff, v3  }
0xcb: {  	[tilespmem:s20+$0x0] =	vst.add.f32.msk $0xffff, v0  }
0xcc: {  	[tilespmem:s21+$0x0] =	vst.add.f32.msk $0xffff, v1  }
0xcd: {  	s17 =	simm.s32 $0x0;
	s18 =	rddreg [dreg:$0xc]  }
0xce: {  	[hbm4b:s18+s17] =	stream.linear.scatter [tilespmem:s6], [sflag:$0x5], $0x4000, $0x38;
	[tilespmem:$0x1C000] =	vst v63  }
0xcf: {  	_ =	swait.ge [sflag:s11], $0x4000  }
0xd0: {  	[sflag:s11] =	ssyncset.done $0x0  }
0xd1: {  	s18 =	simm.s32 $0x0;
	s24 =	rddreg [dreg:$0xd];
	[sflag:s11] =	ssyncadd.s32 $0xFFFFC000  }
0xd2: {  	[tilespmem:s6], [sflag:$0x2] =	stream.linear.gather [hbm4b:s24+s17], $0x4000, $0x38;
	[tilespmem:$0x1C000] =	vst v63  }
0xd3: {  	s25 =	sand.u32 $0x1C00, s17;
	s19 =	sand.u32 $0x2000, s18;
	_ =	swait.ge [sflag:s12], $0x4000  }
0xd4: {  	s26 =	sand.u32 $0x380, s17;
	s19 =	sor.u32 s19, s25;
	[sflag:s12] =	ssyncset.done $0x0  }
0xd5: {  	s19 =	sor.u32 s26, s19;
	[sflag:s12] =	ssyncadd.s32 $0xFFFFC000  }
0xd6: {  	v0 =	vld [tilespmem:s19+$0x70]  }
0xd7: {  	v4 =	vld [tilespmem:s19+$0x0]  }
0xd8: {  	v5 =	vld [tilespmem:s19+$0x10]  }
0xd9: {  	v6 =	vld [tilespmem:s19+$0x20]  }
0xda: {  	v2 =	vld [tilespmem:s19+$0x30]  }
0xdb: {  	v3 =	vld [tilespmem:s19+$0x40]  }
0xdc: {  	s20 =	sor.u32 $0x14070, s19;
	v1 =	vld [tilespmem:s19+$0x60]  }
0xdd: {  	[tilespmem:s20+$0x0] =	vst.add.f32.msk $0xffff, v0  }
0xde: {  	s28 =	sor.u32 $0x14000, s19;
	v0 =	vld [tilespmem:s19+$0x50]  }
0xdf: {  	s29 =	sor.u32 $0x14010, s19;
	[tilespmem:s28+$0x0] =	vst.add.f32.msk $0xffff, v4  }
0xe0: {  	s24 =	sor.u32 $0x14020, s19;
	s23 =	sor.u32 $0x14030, s19;
	s22 =	sor.u32 $0x14040, s19;
	[tilespmem:s29+$0x0] =	vst.add.f32.msk $0xffff, v5  }
0xe1: {  	s21 =	sor.u32 $0x14060, s19;
	s20 =	sor.u32 $0x14050, s19;
	[tilespmem:s24+$0x0] =	vst.add.f32.msk $0xffff, v6;
	s19 =	simm.s32 $0x0  }
.LBB2_10:
0xe2: {  	s18 =	sadd.s32 $0x80, s18;
	[tilespmem:s23+$0x0] =	vst.add.f32.msk $0xffff, v2;
	s17 =	sadd.s32 $0x400, s17  }
0xe3: {  	s19 =	sadd.s32 $0x10, s19;
	s23 =	sand.u32 $0x2000, s18;
	s24 =	sand.u32 $0x1C00, s17;
	[tilespmem:s22+$0x0] =	vst.add.f32.msk $0xffff, v3  }
0xe4: {  	p0 =	slt.u32 s18, $0x3F80;
	s22 =	sor.u32 s23, s24;
	s23 =	sand.u32 $0x380, s19;
	[tilespmem:s20+$0x0] =	vst.add.f32.msk $0xffff, v0  }
0xe5: {  	s24 =	sor.u32 s23, s22;
	[tilespmem:s21+$0x0] =	vst.add.f32.msk $0xffff, v1  }
0xe6: {  	s25 =	sor.u32 $0x14000, s24;
	s26 =	sor.u32 $0x14010, s24;
	s28 =	sor.u32 $0x14020, s24;
	v0 =	vld [tilespmem:s24+$0x70]  }
0xe7: {  	s23 =	sor.u32 $0x14030, s24;
	s22 =	sor.u32 $0x14040, s24;
	s20 =	sor.u32 $0x14050, s24;
	v4 =	vld [tilespmem:s24+$0x0]  }
0xe8: {  	s21 =	sor.u32 $0x14060, s24;
	v5 =	vld [tilespmem:s24+$0x10]  }
0xe9: {  	v6 =	vld [tilespmem:s24+$0x20]  }
0xea: {  	s29 =	sor.u32 $0x14070, s24;
	v2 =	vld [tilespmem:s24+$0x30]  }
0xeb: {  	[tilespmem:s29+$0x0] =	vst.add.f32.msk $0xffff, v0  }
0xec: {  	v3 =	vld [tilespmem:s24+$0x40]  }
.Ltmp4:
0xed: {  	v0 =	vld [tilespmem:s24+$0x50];
	(pc) =	sbr.rel @p0 .LBB2_10-.Ltmp4, $4  }
0xee: {  	v1 =	vld [tilespmem:s24+$0x60]  }
0xef: {  	[tilespmem:s25+$0x0] =	vst.add.f32.msk $0xffff, v4  }
0xf0: {  	[tilespmem:s26+$0x0] =	vst.add.f32.msk $0xffff, v5  }
0xf1: {  	[tilespmem:s28+$0x0] =	vst.add.f32.msk $0xffff, v6  }
0xf2: {  	[tilespmem:s23+$0x0] =	vst.add.f32.msk $0xffff, v2  }
0xf3: {  	[tilespmem:s22+$0x0] =	vst.add.f32.msk $0xffff, v3  }
0xf4: {  	[tilespmem:s20+$0x0] =	vst.add.f32.msk $0xffff, v0  }
0xf5: {  	[tilespmem:s21+$0x0] =	vst.add.f32.msk $0xffff, v1  }
0xf6: {  	s17 =	simm.s32 $0x0;
	s18 =	rddreg [dreg:$0xe]  }
0xf7: {  	[hbm4b:s18+s17] =	stream.linear.scatter [tilespmem:s7], [sflag:$0x6], $0x4000, $0x38;
	[tilespmem:$0x1C000] =	vst v63  }
0xf8: {  	_ =	swait.ge [sflag:s13], $0x4000  }
0xf9: {  	[sflag:s13] =	ssyncset.done $0x0  }
0xfa: {  	s18 =	simm.s32 $0x0;
	s24 =	rddreg [dreg:$0xf];
	[sflag:s13] =	ssyncadd.s32 $0xFFFFC000  }
0xfb: {  	[tilespmem:s7], [sflag:$0x3] =	stream.linear.gather [hbm4b:s24+s17], $0x4000, $0x38;
	[tilespmem:$0x1C000] =	vst v63  }
0xfc: {  	s25 =	sand.u32 $0x380, s17;
	s19 =	sand.u32 $0x2000, s18;
	_ =	swait.ge [sflag:s14], $0x4000  }
0xfd: {  	s26 =	sand.u32 $0x1C00, s17;
	s19 =	sor.u32 s25, s19;
	[sflag:s14] =	ssyncset.done $0x0  }
0xfe: {  	s19 =	sor.u32 s26, s19;
	[sflag:s14] =	ssyncadd.s32 $0xFFFFC000  }
0xff: {  	v0 =	vld [tilespmem:s19+$0x4070]  }
0x100: {  	v4 =	vld [tilespmem:s19+$0x4000]  }
0x101: {  	v5 =	vld [tilespmem:s19+$0x4010]  }
0x102: {  	v6 =	vld [tilespmem:s19+$0x4020]  }
0x103: {  	v2 =	vld [tilespmem:s19+$0x4030]  }
0x104: {  	v3 =	vld [tilespmem:s19+$0x4040]  }
0x105: {  	s28 =	sor.u32 $0x18070, s19;
	v1 =	vld [tilespmem:s19+$0x4060]  }
0x106: {  	[tilespmem:s28+$0x0] =	vst.add.f32.msk $0xffff, v0  }
0x107: {  	s29 =	sor.u32 $0x18000, s19;
	v0 =	vld [tilespmem:s19+$0x4050]  }
0x108: {  	s21 =	sor.u32 $0x18010, s19;
	[tilespmem:s29+$0x0] =	vst.add.f32.msk $0xffff, v4  }
0x109: {  	s24 =	sor.u32 $0x18020, s19;
	s23 =	sor.u32 $0x18030, s19;
	s22 =	sor.u32 $0x18040, s19;
	[tilespmem:s21+$0x0] =	vst.add.f32.msk $0xffff, v5  }
0x10a: {  	s20 =	sor.u32 $0x18050, s19;
	s21 =	sor.u32 $0x18060, s19;
	[tilespmem:s24+$0x0] =	vst.add.f32.msk $0xffff, v6;
	s19 =	simm.s32 $0x0  }
.LBB2_12:
0x10b: {  	s18 =	sadd.s32 $0x80, s18;
	[tilespmem:s23+$0x0] =	vst.add.f32.msk $0xffff, v2;
	s17 =	sadd.s32 $0x10, s17  }
0x10c: {  	s19 =	sadd.s32 $0x400, s19;
	s23 =	sand.u32 $0x2000, s18;
	s24 =	sand.u32 $0x380, s17;
	[tilespmem:s22+$0x0] =	vst.add.f32.msk $0xffff, v3  }
0x10d: {  	s22 =	sand.u32 $0x1C00, s19;
	p0 =	slt.u32 s18, $0x3F80;
	s23 =	sor.u32 s24, s23;
	[tilespmem:s20+$0x0] =	vst.add.f32.msk $0xffff, v0  }
0x10e: {  	s24 =	sor.u32 s22, s23;
	[tilespmem:s21+$0x0] =	vst.add.f32.msk $0xffff, v1  }
0x10f: {  	s25 =	sor.u32 $0x18000, s24;
	s26 =	sor.u32 $0x18010, s24;
	s28 =	sor.u32 $0x18020, s24;
	v0 =	vld [tilespmem:s24+$0x4070]  }
0x110: {  	s23 =	sor.u32 $0x18030, s24;
	s22 =	sor.u32 $0x18040, s24;
	s20 =	sor.u32 $0x18050, s24;
	v4 =	vld [tilespmem:s24+$0x4000]  }
0x111: {  	s21 =	sor.u32 $0x18060, s24;
	v5 =	vld [tilespmem:s24+$0x4010]  }
0x112: {  	v6 =	vld [tilespmem:s24+$0x4020]  }
0x113: {  	s29 =	sor.u32 $0x18070, s24;
	v2 =	vld [tilespmem:s24+$0x4030]  }
0x114: {  	[tilespmem:s29+$0x0] =	vst.add.f32.msk $0xffff, v0  }
0x115: {  	v3 =	vld [tilespmem:s24+$0x4040]  }
.Ltmp5:
0x116: {  	v0 =	vld [tilespmem:s24+$0x4050];
	(pc) =	sbr.rel @p0 .LBB2_12-.Ltmp5, $4  }
0x117: {  	v1 =	vld [tilespmem:s24+$0x4060]  }
0x118: {  	[tilespmem:s25+$0x0] =	vst.add.f32.msk $0xffff, v4  }
0x119: {  	[tilespmem:s26+$0x0] =	vst.add.f32.msk $0xffff, v5  }
0x11a: {  	[tilespmem:s28+$0x0] =	vst.add.f32.msk $0xffff, v6  }
0x11b: {  	[tilespmem:s23+$0x0] =	vst.add.f32.msk $0xffff, v2  }
0x11c: {  	[tilespmem:s22+$0x0] =	vst.add.f32.msk $0xffff, v3  }
0x11d: {  	[tilespmem:s20+$0x0] =	vst.add.f32.msk $0xffff, v0  }
0x11e: {  	[tilespmem:s21+$0x0] =	vst.add.f32.msk $0xffff, v1  }
0x11f: {  	s17 =	simm.s32 $0x0;
	s18 =	rddreg [dreg:$0x10]  }
0x120: {  	[hbm4b:s18+s17] =	stream.linear.scatter [tilespmem:s9], [sflag:$0x7], $0x4000, $0x38;
	[tilespmem:$0x1C000] =	vst v63  }
0x121: {  	_ =	swait.ge [sflag:s15], $0x4000  }
0x122: {  	[sflag:s15] =	ssyncset.done $0x0  }
0x123: {  	s18 =	simm.s32 $0x0;
	s24 =	rddreg [dreg:$0x11];
	[sflag:s15] =	ssyncadd.s32 $0xFFFFC000  }
0x124: {  	[tilespmem:s9], [sflag:$0x4] =	stream.linear.gather [hbm4b:s24+s17], $0x4000, $0x38;
	[tilespmem:$0x1C000] =	vst v63  }
0x125: {  	s25 =	sand.u32 $0x380, s17;
	s19 =	sand.u32 $0x2000, s18;
	_ =	swait.ge [sflag:s10], $0x4000  }
0x126: {  	s26 =	sand.u32 $0x1C00, s17;
	s19 =	sor.u32 s25, s19;
	[sflag:s10] =	ssyncset.done $0x0  }
0x127: {  	s19 =	sor.u32 s26, s19;
	[sflag:s10] =	ssyncadd.s32 $0xFFFFC000  }
0x128: {  	v0 =	vld [tilespmem:s19+$0x8070]  }
0x129: {  	v4 =	vld [tilespmem:s19+$0x8000]  }
0x12a: {  	v5 =	vld [tilespmem:s19+$0x8010]  }
0x12b: {  	v6 =	vld [tilespmem:s19+$0x8020]  }
0x12c: {  	v2 =	vld [tilespmem:s19+$0x8030]  }
0x12d: {  	v3 =	vld [tilespmem:s19+$0x8040]  }
0x12e: {  	s28 =	sor.u32 $0x10070, s19;
	v1 =	vld [tilespmem:s19+$0x8060]  }
0x12f: {  	[tilespmem:s28+$0x0] =	vst.add.f32.msk $0xffff, v0  }
0x130: {  	s29 =	sor.u32 $0x10000, s19;
	v0 =	vld [tilespmem:s19+$0x8050]  }
0x131: {  	s21 =	sor.u32 $0x10010, s19;
	[tilespmem:s29+$0x0] =	vst.add.f32.msk $0xffff, v4  }
0x132: {  	s24 =	sor.u32 $0x10020, s19;
	s23 =	sor.u32 $0x10030, s19;
	s22 =	sor.u32 $0x10040, s19;
	[tilespmem:s21+$0x0] =	vst.add.f32.msk $0xffff, v5  }
0x133: {  	s20 =	sor.u32 $0x10050, s19;
	s21 =	sor.u32 $0x10060, s19;
	[tilespmem:s24+$0x0] =	vst.add.f32.msk $0xffff, v6;
	s19 =	simm.s32 $0x0  }
.LBB2_14:
0x134: {  	s18 =	sadd.s32 $0x80, s18;
	[tilespmem:s23+$0x0] =	vst.add.f32.msk $0xffff, v2;
	s17 =	sadd.s32 $0x10, s17  }
0x135: {  	s19 =	sadd.s32 $0x400, s19;
	s23 =	sand.u32 $0x2000, s18;
	s24 =	sand.u32 $0x380, s17;
	[tilespmem:s22+$0x0] =	vst.add.f32.msk $0xffff, v3  }
0x136: {  	s22 =	sand.u32 $0x1C00, s19;
	p0 =	slt.u32 s18, $0x3F80;
	s23 =	sor.u32 s24, s23;
	[tilespmem:s20+$0x0] =	vst.add.f32.msk $0xffff, v0  }
0x137: {  	s24 =	sor.u32 s22, s23;
	[tilespmem:s21+$0x0] =	vst.add.f32.msk $0xffff, v1  }
0x138: {  	s25 =	sor.u32 $0x10000, s24;
	s26 =	sor.u32 $0x10010, s24;
	s28 =	sor.u32 $0x10020, s24;
	v0 =	vld [tilespmem:s24+$0x8070]  }
0x139: {  	s23 =	sor.u32 $0x10030, s24;
	s22 =	sor.u32 $0x10040, s24;
	s20 =	sor.u32 $0x10050, s24;
	v4 =	vld [tilespmem:s24+$0x8000]  }
0x13a: {  	s21 =	sor.u32 $0x10060, s24;
	v5 =	vld [tilespmem:s24+$0x8010]  }
0x13b: {  	v6 =	vld [tilespmem:s24+$0x8020]  }
0x13c: {  	s29 =	sor.u32 $0x10070, s24;
	v2 =	vld [tilespmem:s24+$0x8030]  }
0x13d: {  	[tilespmem:s29+$0x0] =	vst.add.f32.msk $0xffff, v0  }
0x13e: {  	v3 =	vld [tilespmem:s24+$0x8040]  }
.Ltmp6:
0x13f: {  	v0 =	vld [tilespmem:s24+$0x8050];
	(pc) =	sbr.rel @p0 .LBB2_14-.Ltmp6, $4  }
0x140: {  	v1 =	vld [tilespmem:s24+$0x8060]  }
0x141: {  	[tilespmem:s25+$0x0] =	vst.add.f32.msk $0xffff, v4  }
0x142: {  	[tilespmem:s26+$0x0] =	vst.add.f32.msk $0xffff, v5  }
0x143: {  	[tilespmem:s28+$0x0] =	vst.add.f32.msk $0xffff, v6  }
0x144: {  	[tilespmem:s23+$0x0] =	vst.add.f32.msk $0xffff, v2  }
0x145: {  	[tilespmem:s22+$0x0] =	vst.add.f32.msk $0xffff, v3  }
0x146: {  	[tilespmem:s20+$0x0] =	vst.add.f32.msk $0xffff, v0  }
0x147: {  	[tilespmem:s21+$0x0] =	vst.add.f32.msk $0xffff, v1  }
0x148: {  	s17 =	simm.s32 $0x0;
	s18 =	rddreg [dreg:$0x12]  }
0x149: {  	[hbm4b:s18+s17] =	stream.linear.scatter [tilespmem:s6], [sflag:$0x5], $0x4000, $0x38;
	[tilespmem:$0x1C000] =	vst v63  }
0x14a: {  	_ =	swait.ge [sflag:s11], $0x4000  }
0x14b: {  	[sflag:s11] =	ssyncset.done $0x0  }
0x14c: {  	s18 =	simm.s32 $0x0;
	s24 =	rddreg [dreg:$0x13];
	[sflag:s11] =	ssyncadd.s32 $0xFFFFC000  }
0x14d: {  	[tilespmem:s6], [sflag:$0x2] =	stream.linear.gather [hbm4b:s24+s17], $0x4000, $0x38;
	[tilespmem:$0x1C000] =	vst v63  }
0x14e: {  	s25 =	sand.u32 $0x380, s17;
	s19 =	sand.u32 $0x2000, s18;
	_ =	swait.ge [sflag:s12], $0x4000  }
0x14f: {  	s26 =	sand.u32 $0x1C00, s17;
	s19 =	sor.u32 s25, s19;
	[sflag:s12] =	ssyncset.done $0x0  }
0x150: {  	s19 =	sor.u32 s26, s19;
	[sflag:s12] =	ssyncadd.s32 $0xFFFFC000  }
0x151: {  	v0 =	vld [tilespmem:s19+$0xC070]  }
0x152: {  	v4 =	vld [tilespmem:s19+$0xC000]  }
0x153: {  	v5 =	vld [tilespmem:s19+$0xC010]  }
0x154: {  	v6 =	vld [tilespmem:s19+$0xC020]  }
0x155: {  	v2 =	vld [tilespmem:s19+$0xC030]  }
0x156: {  	v3 =	vld [tilespmem:s19+$0xC040]  }
0x157: {  	s28 =	sor.u32 $0x14070, s19;
	v1 =	vld [tilespmem:s19+$0xC060]  }
0x158: {  	[tilespmem:s28+$0x0] =	vst.add.f32.msk $0xffff, v0  }
0x159: {  	s29 =	sor.u32 $0x14000, s19;
	v0 =	vld [tilespmem:s19+$0xC050]  }
0x15a: {  	s21 =	sor.u32 $0x14010, s19;
	[tilespmem:s29+$0x0] =	vst.add.f32.msk $0xffff, v4  }
0x15b: {  	s24 =	sor.u32 $0x14020, s19;
	s23 =	sor.u32 $0x14030, s19;
	s22 =	sor.u32 $0x14040, s19;
	[tilespmem:s21+$0x0] =	vst.add.f32.msk $0xffff, v5  }
0x15c: {  	s20 =	sor.u32 $0x14050, s19;
	s21 =	sor.u32 $0x14060, s19;
	[tilespmem:s24+$0x0] =	vst.add.f32.msk $0xffff, v6;
	s19 =	simm.s32 $0x0  }
.LBB2_16:
0x15d: {  	s18 =	sadd.s32 $0x80, s18;
	[tilespmem:s23+$0x0] =	vst.add.f32.msk $0xffff, v2;
	s17 =	sadd.s32 $0x10, s17  }
0x15e: {  	s19 =	sadd.s32 $0x400, s19;
	s23 =	sand.u32 $0x2000, s18;
	s24 =	sand.u32 $0x380, s17;
	[tilespmem:s22+$0x0] =	vst.add.f32.msk $0xffff, v3  }
0x15f: {  	s22 =	sand.u32 $0x1C00, s19;
	p0 =	slt.u32 s18, $0x3F80;
	s23 =	sor.u32 s24, s23;
	[tilespmem:s20+$0x0] =	vst.add.f32.msk $0xffff, v0  }
0x160: {  	s24 =	sor.u32 s22, s23;
	[tilespmem:s21+$0x0] =	vst.add.f32.msk $0xffff, v1  }
0x161: {  	s25 =	sor.u32 $0x14000, s24;
	s26 =	sor.u32 $0x14010, s24;
	s28 =	sor.u32 $0x14020, s24;
	v0 =	vld [tilespmem:s24+$0xC070]  }
0x162: {  	s23 =	sor.u32 $0x14030, s24;
	s22 =	sor.u32 $0x14040, s24;
	s20 =	sor.u32 $0x14050, s24;
	v4 =	vld [tilespmem:s24+$0xC000]  }
0x163: {  	s21 =	sor.u32 $0x14060, s24;
	v5 =	vld [tilespmem:s24+$0xC010]  }
0x164: {  	v6 =	vld [tilespmem:s24+$0xC020]  }
0x165: {  	s29 =	sor.u32 $0x14070, s24;
	v2 =	vld [tilespmem:s24+$0xC030]  }
0x166: {  	[tilespmem:s29+$0x0] =	vst.add.f32.msk $0xffff, v0  }
0x167: {  	v3 =	vld [tilespmem:s24+$0xC040]  }
.Ltmp7:
0x168: {  	v0 =	vld [tilespmem:s24+$0xC050];
	(pc) =	sbr.rel @p0 .LBB2_16-.Ltmp7, $4  }
0x169: {  	v1 =	vld [tilespmem:s24+$0xC060]  }
0x16a: {  	[tilespmem:s25+$0x0] =	vst.add.f32.msk $0xffff, v4  }
0x16b: {  	[tilespmem:s26+$0x0] =	vst.add.f32.msk $0xffff, v5  }
0x16c: {  	[tilespmem:s28+$0x0] =	vst.add.f32.msk $0xffff, v6  }
0x16d: {  	[tilespmem:s23+$0x0] =	vst.add.f32.msk $0xffff, v2  }
0x16e: {  	[tilespmem:s22+$0x0] =	vst.add.f32.msk $0xffff, v3  }
0x16f: {  	[tilespmem:s20+$0x0] =	vst.add.f32.msk $0xffff, v0  }
0x170: {  	[tilespmem:s21+$0x0] =	vst.add.f32.msk $0xffff, v1  }
0x171: {  	s17 =	simm.s32 $0x0;
	s18 =	rddreg [dreg:$0x14]  }
0x172: {  	[hbm4b:s18+s17] =	stream.linear.scatter [tilespmem:s7], [sflag:$0x6], $0x4000, $0x38;
	[tilespmem:$0x1C000] =	vst v63  }
0x173: {  	_ =	swait.ge [sflag:s13], $0x4000  }
0x174: {  	[sflag:s13] =	ssyncset.done $0x0  }
0x175: {  	s18 =	simm.s32 $0x0;
	s24 =	rddreg [dreg:$0x17];
	[sflag:s13] =	ssyncadd.s32 $0xFFFFC000  }
0x176: {  	[tilespmem:s7], [sflag:$0x3] =	stream.linear.gather [hbm4b:s24+s17], $0x4000, $0x38;
	[tilespmem:$0x1C000] =	vst v63  }
0x177: {  	s25 =	sand.u32 $0x1C00, s17;
	s19 =	sand.u32 $0x2000, s18;
	_ =	swait.ge [sflag:s14], $0x4000  }
0x178: {  	s26 =	sand.u32 $0x380, s17;
	s19 =	sor.u32 s19, s25;
	[sflag:s14] =	ssyncset.done $0x0  }
0x179: {  	s19 =	sor.u32 s26, s19;
	[sflag:s14] =	ssyncadd.s32 $0xFFFFC000  }
0x17a: {  	v0 =	vld [tilespmem:s19+$0x70]  }
0x17b: {  	v4 =	vld [tilespmem:s19+$0x0]  }
0x17c: {  	v5 =	vld [tilespmem:s19+$0x10]  }
0x17d: {  	v6 =	vld [tilespmem:s19+$0x20]  }
0x17e: {  	v2 =	vld [tilespmem:s19+$0x30]  }
0x17f: {  	v3 =	vld [tilespmem:s19+$0x40]  }
0x180: {  	s20 =	sor.u32 $0x18070, s19;
	v1 =	vld [tilespmem:s19+$0x60]  }
0x181: {  	[tilespmem:s20+$0x0] =	vst.add.f32.msk $0xffff, v0  }
0x182: {  	s28 =	sor.u32 $0x18000, s19;
	v0 =	vld [tilespmem:s19+$0x50]  }
0x183: {  	s29 =	sor.u32 $0x18010, s19;
	[tilespmem:s28+$0x0] =	vst.add.f32.msk $0xffff, v4  }
0x184: {  	s24 =	sor.u32 $0x18020, s19;
	s23 =	sor.u32 $0x18030, s19;
	s22 =	sor.u32 $0x18040, s19;
	[tilespmem:s29+$0x0] =	vst.add.f32.msk $0xffff, v5  }
0x185: {  	s21 =	sor.u32 $0x18060, s19;
	s20 =	sor.u32 $0x18050, s19;
	[tilespmem:s24+$0x0] =	vst.add.f32.msk $0xffff, v6;
	s19 =	simm.s32 $0x0  }
.LBB2_18:
0x186: {  	s18 =	sadd.s32 $0x80, s18;
	[tilespmem:s23+$0x0] =	vst.add.f32.msk $0xffff, v2;
	s17 =	sadd.s32 $0x400, s17  }
0x187: {  	s19 =	sadd.s32 $0x10, s19;
	s23 =	sand.u32 $0x2000, s18;
	s24 =	sand.u32 $0x1C00, s17;
	[tilespmem:s22+$0x0] =	vst.add.f32.msk $0xffff, v3  }
0x188: {  	p0 =	slt.u32 s18, $0x3F80;
	s22 =	sor.u32 s23, s24;
	s23 =	sand.u32 $0x380, s19;
	[tilespmem:s20+$0x0] =	vst.add.f32.msk $0xffff, v0  }
0x189: {  	s24 =	sor.u32 s23, s22;
	[tilespmem:s21+$0x0] =	vst.add.f32.msk $0xffff, v1  }
0x18a: {  	s25 =	sor.u32 $0x18000, s24;
	s26 =	sor.u32 $0x18010, s24;
	s28 =	sor.u32 $0x18020, s24;
	v0 =	vld [tilespmem:s24+$0x70]  }
0x18b: {  	s23 =	sor.u32 $0x18030, s24;
	s22 =	sor.u32 $0x18040, s24;
	s20 =	sor.u32 $0x18050, s24;
	v4 =	vld [tilespmem:s24+$0x0]  }
0x18c: {  	s21 =	sor.u32 $0x18060, s24;
	v5 =	vld [tilespmem:s24+$0x10]  }
0x18d: {  	v6 =	vld [tilespmem:s24+$0x20]  }
0x18e: {  	s29 =	sor.u32 $0x18070, s24;
	v2 =	vld [tilespmem:s24+$0x30]  }
0x18f: {  	[tilespmem:s29+$0x0] =	vst.add.f32.msk $0xffff, v0  }
0x190: {  	v3 =	vld [tilespmem:s24+$0x40]  }
.Ltmp8:
0x191: {  	v0 =	vld [tilespmem:s24+$0x50];
	(pc) =	sbr.rel @p0 .LBB2_18-.Ltmp8, $4  }
0x192: {  	v1 =	vld [tilespmem:s24+$0x60]  }
0x193: {  	[tilespmem:s25+$0x0] =	vst.add.f32.msk $0xffff, v4  }
0x194: {  	[tilespmem:s26+$0x0] =	vst.add.f32.msk $0xffff, v5  }
0x195: {  	[tilespmem:s28+$0x0] =	vst.add.f32.msk $0xffff, v6  }
0x196: {  	[tilespmem:s23+$0x0] =	vst.add.f32.msk $0xffff, v2  }
0x197: {  	[tilespmem:s22+$0x0] =	vst.add.f32.msk $0xffff, v3  }
0x198: {  	[tilespmem:s20+$0x0] =	vst.add.f32.msk $0xffff, v0  }
0x199: {  	[tilespmem:s21+$0x0] =	vst.add.f32.msk $0xffff, v1  }
0x19a: {  	s17 =	simm.s32 $0x0;
	s18 =	rddreg [dreg:$0x15]  }
0x19b: {  	[hbm4b:s18+s17] =	stream.linear.scatter [tilespmem:s9], [sflag:$0x7], $0x4000, $0x38;
	[tilespmem:$0x1C000] =	vst v63  }
0x19c: {  	_ =	swait.ge [sflag:s15], $0x4000  }
0x19d: {  	[sflag:s15] =	ssyncset.done $0x0  }
0x19e: {  	s18 =	simm.s32 $0x0;
	s24 =	rddreg [dreg:$0x19];
	[sflag:s15] =	ssyncadd.s32 $0xFFFFC000  }
0x19f: {  	[tilespmem:s9], [sflag:$0x4] =	stream.linear.gather [hbm4b:s24+s17], $0x4000, $0x38;
	[tilespmem:$0x1C000] =	vst v63  }
0x1a0: {  	s25 =	sand.u32 $0x380, s17;
	s19 =	sand.u32 $0x2000, s18;
	_ =	swait.ge [sflag:s10], $0x4000  }
0x1a1: {  	s26 =	sand.u32 $0x1C00, s17;
	s19 =	sor.u32 s25, s19;
	[sflag:s10] =	ssyncset.done $0x0  }
0x1a2: {  	s19 =	sor.u32 s26, s19;
	[sflag:s10] =	ssyncadd.s32 $0xFFFFC000  }
0x1a3: {  	v0 =	vld [tilespmem:s19+$0x4070]  }
0x1a4: {  	v4 =	vld [tilespmem:s19+$0x4000]  }
0x1a5: {  	v5 =	vld [tilespmem:s19+$0x4010]  }
0x1a6: {  	v6 =	vld [tilespmem:s19+$0x4020]  }
0x1a7: {  	v2 =	vld [tilespmem:s19+$0x4030]  }
0x1a8: {  	v3 =	vld [tilespmem:s19+$0x4040]  }
0x1a9: {  	s28 =	sor.u32 $0x10070, s19;
	v1 =	vld [tilespmem:s19+$0x4060]  }
0x1aa: {  	[tilespmem:s28+$0x0] =	vst.add.f32.msk $0xffff, v0  }
0x1ab: {  	s29 =	sor.u32 $0x10000, s19;
	v0 =	vld [tilespmem:s19+$0x4050]  }
0x1ac: {  	s21 =	sor.u32 $0x10010, s19;
	[tilespmem:s29+$0x0] =	vst.add.f32.msk $0xffff, v4  }
0x1ad: {  	s24 =	sor.u32 $0x10020, s19;
	s23 =	sor.u32 $0x10030, s19;
	s22 =	sor.u32 $0x10040, s19;
	[tilespmem:s21+$0x0] =	vst.add.f32.msk $0xffff, v5  }
0x1ae: {  	s20 =	sor.u32 $0x10050, s19;
	s21 =	sor.u32 $0x10060, s19;
	[tilespmem:s24+$0x0] =	vst.add.f32.msk $0xffff, v6;
	s19 =	simm.s32 $0x0  }
.LBB2_20:
0x1af: {  	s18 =	sadd.s32 $0x80, s18;
	[tilespmem:s23+$0x0] =	vst.add.f32.msk $0xffff, v2;
	s17 =	sadd.s32 $0x10, s17  }
0x1b0: {  	s19 =	sadd.s32 $0x400, s19;
	s23 =	sand.u32 $0x2000, s18;
	s24 =	sand.u32 $0x380, s17;
	[tilespmem:s22+$0x0] =	vst.add.f32.msk $0xffff, v3  }
0x1b1: {  	s22 =	sand.u32 $0x1C00, s19;
	p0 =	slt.u32 s18, $0x3F80;
	s23 =	sor.u32 s24, s23;
	[tilespmem:s20+$0x0] =	vst.add.f32.msk $0xffff, v0  }
0x1b2: {  	s24 =	sor.u32 s22, s23;
	[tilespmem:s21+$0x0] =	vst.add.f32.msk $0xffff, v1  }
0x1b3: {  	s25 =	sor.u32 $0x10000, s24;
	s26 =	sor.u32 $0x10010, s24;
	s28 =	sor.u32 $0x10020, s24;
	v0 =	vld [tilespmem:s24+$0x4070]  }
0x1b4: {  	s23 =	sor.u32 $0x10030, s24;
	s22 =	sor.u32 $0x10040, s24;
	s20 =	sor.u32 $0x10050, s24;
	v4 =	vld [tilespmem:s24+$0x4000]  }
0x1b5: {  	s21 =	sor.u32 $0x10060, s24;
	v5 =	vld [tilespmem:s24+$0x4010]  }
0x1b6: {  	v6 =	vld [tilespmem:s24+$0x4020]  }
0x1b7: {  	s29 =	sor.u32 $0x10070, s24;
	v2 =	vld [tilespmem:s24+$0x4030]  }
0x1b8: {  	[tilespmem:s29+$0x0] =	vst.add.f32.msk $0xffff, v0  }
0x1b9: {  	v3 =	vld [tilespmem:s24+$0x4040]  }
.Ltmp9:
0x1ba: {  	v0 =	vld [tilespmem:s24+$0x4050];
	(pc) =	sbr.rel @p0 .LBB2_20-.Ltmp9, $4  }
0x1bb: {  	v1 =	vld [tilespmem:s24+$0x4060]  }
0x1bc: {  	[tilespmem:s25+$0x0] =	vst.add.f32.msk $0xffff, v4  }
0x1bd: {  	[tilespmem:s26+$0x0] =	vst.add.f32.msk $0xffff, v5  }
0x1be: {  	[tilespmem:s28+$0x0] =	vst.add.f32.msk $0xffff, v6  }
0x1bf: {  	[tilespmem:s23+$0x0] =	vst.add.f32.msk $0xffff, v2  }
0x1c0: {  	[tilespmem:s22+$0x0] =	vst.add.f32.msk $0xffff, v3  }
0x1c1: {  	[tilespmem:s20+$0x0] =	vst.add.f32.msk $0xffff, v0  }
0x1c2: {  	[tilespmem:s21+$0x0] =	vst.add.f32.msk $0xffff, v1  }
0x1c3: {  	s17 =	simm.s32 $0x0;
	s18 =	rddreg [dreg:$0x16]  }
0x1c4: {  	[hbm4b:s18+s17] =	stream.linear.scatter [tilespmem:s6], [sflag:$0x5], $0x4000, $0x38;
	[tilespmem:$0x1C000] =	vst v63  }
0x1c5: {  	_ =	swait.ge [sflag:s11], $0x4000  }
0x1c6: {  	[sflag:s11] =	ssyncset.done $0x0  }
0x1c7: {  	s18 =	simm.s32 $0x0;
	s24 =	rddreg [dreg:$0x1b];
	[sflag:s11] =	ssyncadd.s32 $0xFFFFC000  }
0x1c8: {  	[tilespmem:s6], [sflag:$0x2] =	stream.linear.gather [hbm4b:s24+s17], $0x4000, $0x38;
	[tilespmem:$0x1C000] =	vst v63  }
0x1c9: {  	s25 =	sand.u32 $0x380, s17;
	s19 =	sand.u32 $0x2000, s18;
	_ =	swait.ge [sflag:s12], $0x4000  }
0x1ca: {  	s26 =	sand.u32 $0x1C00, s17;
	s19 =	sor.u32 s25, s19;
	[sflag:s12] =	ssyncset.done $0x0  }
0x1cb: {  	s19 =	sor.u32 s26, s19;
	[sflag:s12] =	ssyncadd.s32 $0xFFFFC000  }
0x1cc: {  	v0 =	vld [tilespmem:s19+$0x8070]  }
0x1cd: {  	v4 =	vld [tilespmem:s19+$0x8000]  }
0x1ce: {  	v5 =	vld [tilespmem:s19+$0x8010]  }
0x1cf: {  	v6 =	vld [tilespmem:s19+$0x8020]  }
0x1d0: {  	v2 =	vld [tilespmem:s19+$0x8030]  }
0x1d1: {  	v3 =	vld [tilespmem:s19+$0x8040]  }
0x1d2: {  	s28 =	sor.u32 $0x14070, s19;
	v1 =	vld [tilespmem:s19+$0x8060]  }
0x1d3: {  	[tilespmem:s28+$0x0] =	vst.add.f32.msk $0xffff, v0  }
0x1d4: {  	s29 =	sor.u32 $0x14000, s19;
	v0 =	vld [tilespmem:s19+$0x8050]  }
0x1d5: {  	s21 =	sor.u32 $0x14010, s19;
	[tilespmem:s29+$0x0] =	vst.add.f32.msk $0xffff, v4  }
0x1d6: {  	s24 =	sor.u32 $0x14020, s19;
	s23 =	sor.u32 $0x14030, s19;
	s22 =	sor.u32 $0x14040, s19;
	[tilespmem:s21+$0x0] =	vst.add.f32.msk $0xffff, v5  }
0x1d7: {  	s20 =	sor.u32 $0x14050, s19;
	s21 =	sor.u32 $0x14060, s19;
	[tilespmem:s24+$0x0] =	vst.add.f32.msk $0xffff, v6;
	s19 =	simm.s32 $0x0  }
.LBB2_22:
0x1d8: {  	s18 =	sadd.s32 $0x80, s18;
	[tilespmem:s23+$0x0] =	vst.add.f32.msk $0xffff, v2;
	s17 =	sadd.s32 $0x10, s17  }
0x1d9: {  	s19 =	sadd.s32 $0x400, s19;
	s23 =	sand.u32 $0x2000, s18;
	s24 =	sand.u32 $0x380, s17;
	[tilespmem:s22+$0x0] =	vst.add.f32.msk $0xffff, v3  }
0x1da: {  	s22 =	sand.u32 $0x1C00, s19;
	p0 =	slt.u32 s18, $0x3F80;
	s23 =	sor.u32 s24, s23;
	[tilespmem:s20+$0x0] =	vst.add.f32.msk $0xffff, v0  }
0x1db: {  	s24 =	sor.u32 s22, s23;
	[tilespmem:s21+$0x0] =	vst.add.f32.msk $0xffff, v1  }
0x1dc: {  	s25 =	sor.u32 $0x14000, s24;
	s26 =	sor.u32 $0x14010, s24;
	s28 =	sor.u32 $0x14020, s24;
	v0 =	vld [tilespmem:s24+$0x8070]  }
0x1dd: {  	s23 =	sor.u32 $0x14030, s24;
	s22 =	sor.u32 $0x14040, s24;
	s20 =	sor.u32 $0x14050, s24;
	v4 =	vld [tilespmem:s24+$0x8000]  }
0x1de: {  	s21 =	sor.u32 $0x14060, s24;
	v5 =	vld [tilespmem:s24+$0x8010]  }
0x1df: {  	v6 =	vld [tilespmem:s24+$0x8020]  }
0x1e0: {  	s29 =	sor.u32 $0x14070, s24;
	v2 =	vld [tilespmem:s24+$0x8030]  }
0x1e1: {  	[tilespmem:s29+$0x0] =	vst.add.f32.msk $0xffff, v0  }
0x1e2: {  	v3 =	vld [tilespmem:s24+$0x8040]  }
.Ltmp10:
0x1e3: {  	v0 =	vld [tilespmem:s24+$0x8050];
	(pc) =	sbr.rel @p0 .LBB2_22-.Ltmp10, $4  }
0x1e4: {  	v1 =	vld [tilespmem:s24+$0x8060]  }
0x1e5: {  	[tilespmem:s25+$0x0] =	vst.add.f32.msk $0xffff, v4  }
0x1e6: {  	[tilespmem:s26+$0x0] =	vst.add.f32.msk $0xffff, v5  }
0x1e7: {  	[tilespmem:s28+$0x0] =	vst.add.f32.msk $0xffff, v6  }
0x1e8: {  	[tilespmem:s23+$0x0] =	vst.add.f32.msk $0xffff, v2  }
0x1e9: {  	[tilespmem:s22+$0x0] =	vst.add.f32.msk $0xffff, v3  }
0x1ea: {  	[tilespmem:s20+$0x0] =	vst.add.f32.msk $0xffff, v0  }
0x1eb: {  	[tilespmem:s21+$0x0] =	vst.add.f32.msk $0xffff, v1  }
0x1ec: {  	s17 =	simm.s32 $0x0;
	s18 =	rddreg [dreg:$0x18]  }
0x1ed: {  	[hbm4b:s18+s17] =	stream.linear.scatter [tilespmem:s7], [sflag:$0x6], $0x4000, $0x38;
	[tilespmem:$0x1C000] =	vst v63  }
0x1ee: {  	_ =	swait.ge [sflag:s13], $0x4000  }
0x1ef: {  	[sflag:s13] =	ssyncset.done $0x0  }
0x1f0: {  	s18 =	simm.s32 $0x0;
	[sflag:s13] =	ssyncadd.s32 $0xFFFFC000  }
0x1f1: {  	[tilespmem:s7], [sflag:$0x3] =	stream.linear.gather [hbm4b:s31+s17], $0x4000, $0x38;
	[tilespmem:$0x1C000] =	vst v63  }
0x1f2: {  	s25 =	sand.u32 $0x380, s17;
	s19 =	sand.u32 $0x2000, s18;
	_ =	swait.ge [sflag:s14], $0x4000  }
0x1f3: {  	s26 =	sand.u32 $0x1C00, s17;
	s19 =	sor.u32 s25, s19;
	[sflag:s14] =	ssyncset.done $0x0  }
0x1f4: {  	s19 =	sor.u32 s26, s19;
	[sflag:s14] =	ssyncadd.s32 $0xFFFFC000  }
0x1f5: {  	v0 =	vld [tilespmem:s19+$0xC070]  }
0x1f6: {  	v4 =	vld [tilespmem:s19+$0xC000]  }
0x1f7: {  	v5 =	vld [tilespmem:s19+$0xC010]  }
0x1f8: {  	v6 =	vld [tilespmem:s19+$0xC020]  }
0x1f9: {  	v2 =	vld [tilespmem:s19+$0xC030]  }
0x1fa: {  	v3 =	vld [tilespmem:s19+$0xC040]  }
0x1fb: {  	s28 =	sor.u32 $0x18070, s19;
	v1 =	vld [tilespmem:s19+$0xC060]  }
0x1fc: {  	[tilespmem:s28+$0x0] =	vst.add.f32.msk $0xffff, v0  }
0x1fd: {  	s29 =	sor.u32 $0x18000, s19;
	v0 =	vld [tilespmem:s19+$0xC050]  }
0x1fe: {  	s21 =	sor.u32 $0x18010, s19;
	[tilespmem:s29+$0x0] =	vst.add.f32.msk $0xffff, v4  }
0x1ff: {  	s24 =	sor.u32 $0x18020, s19;
	s23 =	sor.u32 $0x18030, s19;
	s22 =	sor.u32 $0x18040, s19;
	[tilespmem:s21+$0x0] =	vst.add.f32.msk $0xffff, v5  }
0x200: {  	s20 =	sor.u32 $0x18050, s19;
	s21 =	sor.u32 $0x18060, s19;
	[tilespmem:s24+$0x0] =	vst.add.f32.msk $0xffff, v6;
	s19 =	simm.s32 $0x0  }
.LBB2_24:
0x201: {  	s18 =	sadd.s32 $0x80, s18;
	[tilespmem:s23+$0x0] =	vst.add.f32.msk $0xffff, v2;
	s17 =	sadd.s32 $0x10, s17  }
0x202: {  	s19 =	sadd.s32 $0x400, s19;
	s23 =	sand.u32 $0x2000, s18;
	s24 =	sand.u32 $0x380, s17;
	[tilespmem:s22+$0x0] =	vst.add.f32.msk $0xffff, v3  }
0x203: {  	s22 =	sand.u32 $0x1C00, s19;
	p0 =	slt.u32 s18, $0x3F80;
	s23 =	sor.u32 s24, s23;
	[tilespmem:s20+$0x0] =	vst.add.f32.msk $0xffff, v0  }
0x204: {  	s24 =	sor.u32 s22, s23;
	[tilespmem:s21+$0x0] =	vst.add.f32.msk $0xffff, v1  }
0x205: {  	s25 =	sor.u32 $0x18000, s24;
	s26 =	sor.u32 $0x18010, s24;
	s28 =	sor.u32 $0x18020, s24;
	v0 =	vld [tilespmem:s24+$0xC070]  }
0x206: {  	s23 =	sor.u32 $0x18030, s24;
	s22 =	sor.u32 $0x18040, s24;
	s20 =	sor.u32 $0x18050, s24;
	v4 =	vld [tilespmem:s24+$0xC000]  }
0x207: {  	s21 =	sor.u32 $0x18060, s24;
	v5 =	vld [tilespmem:s24+$0xC010]  }
0x208: {  	v6 =	vld [tilespmem:s24+$0xC020]  }
0x209: {  	s29 =	sor.u32 $0x18070, s24;
	v2 =	vld [tilespmem:s24+$0xC030]  }
0x20a: {  	[tilespmem:s29+$0x0] =	vst.add.f32.msk $0xffff, v0  }
0x20b: {  	v3 =	vld [tilespmem:s24+$0xC040]  }
.Ltmp11:
0x20c: {  	v0 =	vld [tilespmem:s24+$0xC050];
	(pc) =	sbr.rel @p0 .LBB2_24-.Ltmp11, $4  }
0x20d: {  	v1 =	vld [tilespmem:s24+$0xC060]  }
0x20e: {  	[tilespmem:s25+$0x0] =	vst.add.f32.msk $0xffff, v4  }
0x20f: {  	[tilespmem:s26+$0x0] =	vst.add.f32.msk $0xffff, v5  }
0x210: {  	[tilespmem:s28+$0x0] =	vst.add.f32.msk $0xffff, v6  }
0x211: {  	[tilespmem:s23+$0x0] =	vst.add.f32.msk $0xffff, v2  }
0x212: {  	[tilespmem:s22+$0x0] =	vst.add.f32.msk $0xffff, v3  }
0x213: {  	[tilespmem:s20+$0x0] =	vst.add.f32.msk $0xffff, v0  }
0x214: {  	[tilespmem:s21+$0x0] =	vst.add.f32.msk $0xffff, v1  }
0x215: {  	s17 =	simm.s32 $0x0;
	s18 =	rddreg [dreg:$0x1a]  }
0x216: {  	[hbm4b:s18+s17] =	stream.linear.scatter [tilespmem:s9], [sflag:$0x7], $0x4000, $0x38;
	[tilespmem:$0x1C000] =	vst v63  }
0x217: {  	_ =	swait.ge [sflag:s15], $0x4000  }
0x218: {  	[sflag:s15] =	ssyncset.done $0x0  }
0x219: {  	s18 =	simm.s32 $0x0;
	[sflag:s15] =	ssyncadd.s32 $0xFFFFC000  }
0x21a: {  	[tilespmem:s9], [sflag:$0x4] =	stream.linear.gather [hbm4b:s30+s17], $0x4000, $0x38;
	[tilespmem:$0x1C000] =	vst v63  }
0x21b: {  	s25 =	sand.u32 $0x1C00, s17;
	s19 =	sand.u32 $0x2000, s18;
	_ =	swait.ge [sflag:s10], $0x4000  }
0x21c: {  	s26 =	sand.u32 $0x380, s17;
	s19 =	sor.u32 s19, s25;
	[sflag:s10] =	ssyncset.done $0x0  }
0x21d: {  	s19 =	sor.u32 s26, s19;
	[sflag:s10] =	ssyncadd.s32 $0xFFFFC000  }
0x21e: {  	v0 =	vld [tilespmem:s19+$0x70]  }
0x21f: {  	v4 =	vld [tilespmem:s19+$0x0]  }
0x220: {  	v5 =	vld [tilespmem:s19+$0x10]  }
0x221: {  	v6 =	vld [tilespmem:s19+$0x20]  }
0x222: {  	v2 =	vld [tilespmem:s19+$0x30]  }
0x223: {  	v3 =	vld [tilespmem:s19+$0x40]  }
0x224: {  	s20 =	sor.u32 $0x10070, s19;
	v1 =	vld [tilespmem:s19+$0x60]  }
0x225: {  	[tilespmem:s20+$0x0] =	vst.add.f32.msk $0xffff, v0  }
0x226: {  	s28 =	sor.u32 $0x10000, s19;
	v0 =	vld [tilespmem:s19+$0x50]  }
0x227: {  	s29 =	sor.u32 $0x10010, s19;
	[tilespmem:s28+$0x0] =	vst.add.f32.msk $0xffff, v4  }
0x228: {  	s24 =	sor.u32 $0x10020, s19;
	s23 =	sor.u32 $0x10030, s19;
	s22 =	sor.u32 $0x10040, s19;
	[tilespmem:s29+$0x0] =	vst.add.f32.msk $0xffff, v5  }
0x229: {  	s21 =	sor.u32 $0x10060, s19;
	s20 =	sor.u32 $0x10050, s19;
	[tilespmem:s24+$0x0] =	vst.add.f32.msk $0xffff, v6;
	s19 =	simm.s32 $0x0  }
.LBB2_26:
0x22a: {  	s18 =	sadd.s32 $0x80, s18;
	[tilespmem:s23+$0x0] =	vst.add.f32.msk $0xffff, v2;
	s17 =	sadd.s32 $0x400, s17  }
0x22b: {  	s19 =	sadd.s32 $0x10, s19;
	s23 =	sand.u32 $0x2000, s18;
	s24 =	sand.u32 $0x1C00, s17;
	[tilespmem:s22+$0x0] =	vst.add.f32.msk $0xffff, v3  }
0x22c: {  	p0 =	slt.u32 s18, $0x3F80;
	s22 =	sor.u32 s23, s24;
	s23 =	sand.u32 $0x380, s19;
	[tilespmem:s20+$0x0] =	vst.add.f32.msk $0xffff, v0  }
0x22d: {  	s24 =	sor.u32 s23, s22;
	[tilespmem:s21+$0x0] =	vst.add.f32.msk $0xffff, v1  }
0x22e: {  	s25 =	sor.u32 $0x10000, s24;
	s26 =	sor.u32 $0x10010, s24;
	s28 =	sor.u32 $0x10020, s24;
	v0 =	vld [tilespmem:s24+$0x70]  }
0x22f: {  	s23 =	sor.u32 $0x10030, s24;
	s22 =	sor.u32 $0x10040, s24;
	s20 =	sor.u32 $0x10050, s24;
	v4 =	vld [tilespmem:s24+$0x0]  }
0x230: {  	s21 =	sor.u32 $0x10060, s24;
	v5 =	vld [tilespmem:s24+$0x10]  }
0x231: {  	v6 =	vld [tilespmem:s24+$0x20]  }
0x232: {  	s29 =	sor.u32 $0x10070, s24;
	v2 =	vld [tilespmem:s24+$0x30]  }
0x233: {  	[tilespmem:s29+$0x0] =	vst.add.f32.msk $0xffff, v0  }
0x234: {  	v3 =	vld [tilespmem:s24+$0x40]  }
.Ltmp12:
0x235: {  	v0 =	vld [tilespmem:s24+$0x50];
	(pc) =	sbr.rel @p0 .LBB2_26-.Ltmp12, $4  }
0x236: {  	v1 =	vld [tilespmem:s24+$0x60]  }
0x237: {  	[tilespmem:s25+$0x0] =	vst.add.f32.msk $0xffff, v4  }
0x238: {  	[tilespmem:s26+$0x0] =	vst.add.f32.msk $0xffff, v5  }
0x239: {  	[tilespmem:s28+$0x0] =	vst.add.f32.msk $0xffff, v6  }
0x23a: {  	[tilespmem:s23+$0x0] =	vst.add.f32.msk $0xffff, v2  }
0x23b: {  	[tilespmem:s22+$0x0] =	vst.add.f32.msk $0xffff, v3  }
0x23c: {  	[tilespmem:s20+$0x0] =	vst.add.f32.msk $0xffff, v0  }
0x23d: {  	[tilespmem:s21+$0x0] =	vst.add.f32.msk $0xffff, v1  }
0x23e: {  	s17 =	simm.s32 $0x0;
	s18 =	rddreg [dreg:$0x1c]  }
0x23f: {  	[hbm4b:s18+s17] =	stream.linear.scatter [tilespmem:s6], [sflag:$0x5], $0x4000, $0x38;
	[tilespmem:$0x1C000] =	vst v63  }
0x240: {  	_ =	swait.ge [sflag:s11], $0x4000  }
0x241: {  	[sflag:s11] =	ssyncset.done $0x0  }
0x242: {  	s18 =	simm.s32 $0x0;
	[sflag:s11] =	ssyncadd.s32 $0xFFFFC000  }
0x243: {  	[tilespmem:s6], [sflag:$0x2] =	stream.linear.gather [hbm4b:s0+s17], $0x4000, $0x38;
	[tilespmem:$0x1C000] =	vst v63  }
0x244: {  	s25 =	sand.u32 $0x380, s17;
	s19 =	sand.u32 $0x2000, s18;
	_ =	swait.ge [sflag:s12], $0x4000  }
0x245: {  	s26 =	sand.u32 $0x1C00, s17;
	s19 =	sor.u32 s25, s19;
	[sflag:s12] =	ssyncset.done $0x0  }
0x246: {  	s19 =	sor.u32 s26, s19;
	[sflag:s12] =	ssyncadd.s32 $0xFFFFC000  }
0x247: {  	v0 =	vld [tilespmem:s19+$0x4070]  }
0x248: {  	v4 =	vld [tilespmem:s19+$0x4000]  }
0x249: {  	v5 =	vld [tilespmem:s19+$0x4010]  }
0x24a: {  	v6 =	vld [tilespmem:s19+$0x4020]  }
0x24b: {  	v2 =	vld [tilespmem:s19+$0x4030]  }
0x24c: {  	v3 =	vld [tilespmem:s19+$0x4040]  }
0x24d: {  	s28 =	sor.u32 $0x14070, s19;
	v1 =	vld [tilespmem:s19+$0x4060]  }
0x24e: {  	[tilespmem:s28+$0x0] =	vst.add.f32.msk $0xffff, v0  }
0x24f: {  	s29 =	sor.u32 $0x14000, s19;
	v0 =	vld [tilespmem:s19+$0x4050]  }
0x250: {  	s21 =	sor.u32 $0x14010, s19;
	[tilespmem:s29+$0x0] =	vst.add.f32.msk $0xffff, v4  }
0x251: {  	s24 =	sor.u32 $0x14020, s19;
	s23 =	sor.u32 $0x14030, s19;
	s22 =	sor.u32 $0x14040, s19;
	[tilespmem:s21+$0x0] =	vst.add.f32.msk $0xffff, v5  }
0x252: {  	s20 =	sor.u32 $0x14050, s19;
	s21 =	sor.u32 $0x14060, s19;
	[tilespmem:s24+$0x0] =	vst.add.f32.msk $0xffff, v6;
	s19 =	simm.s32 $0x0  }
.LBB2_28:
0x253: {  	s18 =	sadd.s32 $0x80, s18;
	[tilespmem:s23+$0x0] =	vst.add.f32.msk $0xffff, v2;
	s17 =	sadd.s32 $0x10, s17  }
0x254: {  	s19 =	sadd.s32 $0x400, s19;
	s23 =	sand.u32 $0x2000, s18;
	s24 =	sand.u32 $0x380, s17;
	[tilespmem:s22+$0x0] =	vst.add.f32.msk $0xffff, v3  }
0x255: {  	s22 =	sand.u32 $0x1C00, s19;
	p0 =	slt.u32 s18, $0x3F80;
	s23 =	sor.u32 s24, s23;
	[tilespmem:s20+$0x0] =	vst.add.f32.msk $0xffff, v0  }
0x256: {  	s24 =	sor.u32 s22, s23;
	[tilespmem:s21+$0x0] =	vst.add.f32.msk $0xffff, v1  }
0x257: {  	s25 =	sor.u32 $0x14000, s24;
	s26 =	sor.u32 $0x14010, s24;
	s28 =	sor.u32 $0x14020, s24;
	v0 =	vld [tilespmem:s24+$0x4070]  }
0x258: {  	s23 =	sor.u32 $0x14030, s24;
	s22 =	sor.u32 $0x14040, s24;
	s20 =	sor.u32 $0x14050, s24;
	v4 =	vld [tilespmem:s24+$0x4000]  }
0x259: {  	s21 =	sor.u32 $0x14060, s24;
	v5 =	vld [tilespmem:s24+$0x4010]  }
0x25a: {  	v6 =	vld [tilespmem:s24+$0x4020]  }
0x25b: {  	s29 =	sor.u32 $0x14070, s24;
	v2 =	vld [tilespmem:s24+$0x4030]  }
0x25c: {  	[tilespmem:s29+$0x0] =	vst.add.f32.msk $0xffff, v0  }
0x25d: {  	v3 =	vld [tilespmem:s24+$0x4040]  }
.Ltmp13:
0x25e: {  	v0 =	vld [tilespmem:s24+$0x4050];
	(pc) =	sbr.rel @p0 .LBB2_28-.Ltmp13, $4  }
0x25f: {  	v1 =	vld [tilespmem:s24+$0x4060]  }
0x260: {  	[tilespmem:s25+$0x0] =	vst.add.f32.msk $0xffff, v4  }
0x261: {  	[tilespmem:s26+$0x0] =	vst.add.f32.msk $0xffff, v5  }
0x262: {  	[tilespmem:s28+$0x0] =	vst.add.f32.msk $0xffff, v6  }
0x263: {  	[tilespmem:s23+$0x0] =	vst.add.f32.msk $0xffff, v2  }
0x264: {  	[tilespmem:s22+$0x0] =	vst.add.f32.msk $0xffff, v3  }
0x265: {  	[tilespmem:s20+$0x0] =	vst.add.f32.msk $0xffff, v0  }
0x266: {  	s17 =	simm.s32 $0x0;
	s18 =	simm.s32 $0x0;
	[tilespmem:s21+$0x0] =	vst.add.f32.msk $0xffff, v1  }
0x267: {  	[hbm4b:s2+s17] =	stream.linear.scatter [tilespmem:s7], [sflag:$0x6], $0x4000, $0x38;
	[tilespmem:$0x1C000] =	vst v63  }
0x268: {  	s19 =	sand.u32 $0x2000, s18;
	s25 =	sand.u32 $0x380, s17;
	_ =	swait.ge [sflag:s14], $0x4000  }
0x269: {  	s26 =	sand.u32 $0x1C00, s17;
	s19 =	sor.u32 s25, s19;
	[sflag:s14] =	ssyncset.done $0x0  }
0x26a: {  	s19 =	sor.u32 s26, s19;
	[sflag:s14] =	ssyncadd.s32 $0xFFFFC000  }
0x26b: {  	v0 =	vld [tilespmem:s19+$0x8070]  }
0x26c: {  	v4 =	vld [tilespmem:s19+$0x8000]  }
0x26d: {  	v5 =	vld [tilespmem:s19+$0x8010]  }
0x26e: {  	v6 =	vld [tilespmem:s19+$0x8020]  }
0x26f: {  	v2 =	vld [tilespmem:s19+$0x8030]  }
0x270: {  	v3 =	vld [tilespmem:s19+$0x8040]  }
0x271: {  	s28 =	sor.u32 $0x18070, s19;
	v1 =	vld [tilespmem:s19+$0x8060]  }
0x272: {  	[tilespmem:s28+$0x0] =	vst.add.f32.msk $0xffff, v0  }
0x273: {  	s29 =	sor.u32 $0x18000, s19;
	v0 =	vld [tilespmem:s19+$0x8050]  }
0x274: {  	s21 =	sor.u32 $0x18010, s19;
	[tilespmem:s29+$0x0] =	vst.add.f32.msk $0xffff, v4  }
0x275: {  	s24 =	sor.u32 $0x18020, s19;
	s23 =	sor.u32 $0x18030, s19;
	s22 =	sor.u32 $0x18040, s19;
	[tilespmem:s21+$0x0] =	vst.add.f32.msk $0xffff, v5  }
0x276: {  	s20 =	sor.u32 $0x18050, s19;
	s21 =	sor.u32 $0x18060, s19;
	[tilespmem:s24+$0x0] =	vst.add.f32.msk $0xffff, v6;
	s19 =	simm.s32 $0x0  }
.LBB2_30:
0x277: {  	s18 =	sadd.s32 $0x80, s18;
	[tilespmem:s23+$0x0] =	vst.add.f32.msk $0xffff, v2;
	s17 =	sadd.s32 $0x10, s17  }
0x278: {  	s19 =	sadd.s32 $0x400, s19;
	s23 =	sand.u32 $0x2000, s18;
	s24 =	sand.u32 $0x380, s17;
	[tilespmem:s22+$0x0] =	vst.add.f32.msk $0xffff, v3  }
0x279: {  	s22 =	sand.u32 $0x1C00, s19;
	p0 =	slt.u32 s18, $0x3F80;
	s23 =	sor.u32 s24, s23;
	[tilespmem:s20+$0x0] =	vst.add.f32.msk $0xffff, v0  }
0x27a: {  	s24 =	sor.u32 s22, s23;
	[tilespmem:s21+$0x0] =	vst.add.f32.msk $0xffff, v1  }
0x27b: {  	s25 =	sor.u32 $0x18000, s24;
	s26 =	sor.u32 $0x18010, s24;
	s28 =	sor.u32 $0x18020, s24;
	v0 =	vld [tilespmem:s24+$0x8070]  }
0x27c: {  	s23 =	sor.u32 $0x18030, s24;
	s22 =	sor.u32 $0x18040, s24;
	s20 =	sor.u32 $0x18050, s24;
	v4 =	vld [tilespmem:s24+$0x8000]  }
0x27d: {  	s21 =	sor.u32 $0x18060, s24;
	v5 =	vld [tilespmem:s24+$0x8010]  }
0x27e: {  	v6 =	vld [tilespmem:s24+$0x8020]  }
0x27f: {  	s29 =	sor.u32 $0x18070, s24;
	v2 =	vld [tilespmem:s24+$0x8030]  }
0x280: {  	[tilespmem:s29+$0x0] =	vst.add.f32.msk $0xffff, v0  }
0x281: {  	v3 =	vld [tilespmem:s24+$0x8040]  }
.Ltmp14:
0x282: {  	v0 =	vld [tilespmem:s24+$0x8050];
	(pc) =	sbr.rel @p0 .LBB2_30-.Ltmp14, $4  }
0x283: {  	v1 =	vld [tilespmem:s24+$0x8060]  }
0x284: {  	[tilespmem:s25+$0x0] =	vst.add.f32.msk $0xffff, v4  }
0x285: {  	[tilespmem:s26+$0x0] =	vst.add.f32.msk $0xffff, v5  }
0x286: {  	[tilespmem:s28+$0x0] =	vst.add.f32.msk $0xffff, v6  }
0x287: {  	[tilespmem:s23+$0x0] =	vst.add.f32.msk $0xffff, v2  }
0x288: {  	[tilespmem:s22+$0x0] =	vst.add.f32.msk $0xffff, v3  }
0x289: {  	[tilespmem:s20+$0x0] =	vst.add.f32.msk $0xffff, v0  }
0x28a: {  	s17 =	simm.s32 $0x0;
	s18 =	simm.s32 $0x0;
	[tilespmem:s21+$0x0] =	vst.add.f32.msk $0xffff, v1  }
0x28b: {  	[hbm4b:s3+s17] =	stream.linear.scatter [tilespmem:s9], [sflag:$0x7], $0x4000, $0x38;
	[tilespmem:$0x1C000] =	vst v63  }
0x28c: {  	s19 =	sand.u32 $0x2000, s18;
	s25 =	sand.u32 $0x380, s17;
	_ =	swait.ge [sflag:s10], $0x4000  }
0x28d: {  	s26 =	sand.u32 $0x1C00, s17;
	s19 =	sor.u32 s25, s19;
	[sflag:s10] =	ssyncset.done $0x0  }
0x28e: {  	s19 =	sor.u32 s26, s19;
	[sflag:s10] =	ssyncadd.s32 $0xFFFFC000  }
0x28f: {  	v0 =	vld [tilespmem:s19+$0xC070]  }
0x290: {  	v4 =	vld [tilespmem:s19+$0xC000]  }
0x291: {  	v5 =	vld [tilespmem:s19+$0xC010]  }
0x292: {  	v6 =	vld [tilespmem:s19+$0xC020]  }
0x293: {  	v2 =	vld [tilespmem:s19+$0xC030]  }
0x294: {  	v3 =	vld [tilespmem:s19+$0xC040]  }
0x295: {  	s28 =	sor.u32 $0x10070, s19;
	v1 =	vld [tilespmem:s19+$0xC060]  }
0x296: {  	[tilespmem:s28+$0x0] =	vst.add.f32.msk $0xffff, v0  }
0x297: {  	s29 =	sor.u32 $0x10000, s19;
	v0 =	vld [tilespmem:s19+$0xC050]  }
0x298: {  	s21 =	sor.u32 $0x10010, s19;
	[tilespmem:s29+$0x0] =	vst.add.f32.msk $0xffff, v4  }
0x299: {  	s24 =	sor.u32 $0x10020, s19;
	s23 =	sor.u32 $0x10030, s19;
	s22 =	sor.u32 $0x10040, s19;
	[tilespmem:s21+$0x0] =	vst.add.f32.msk $0xffff, v5  }
0x29a: {  	s20 =	sor.u32 $0x10050, s19;
	s21 =	sor.u32 $0x10060, s19;
	[tilespmem:s24+$0x0] =	vst.add.f32.msk $0xffff, v6;
	s19 =	simm.s32 $0x0  }
.LBB2_32:
0x29b: {  	s18 =	sadd.s32 $0x80, s18;
	[tilespmem:s23+$0x0] =	vst.add.f32.msk $0xffff, v2;
	s17 =	sadd.s32 $0x10, s17  }
0x29c: {  	s19 =	sadd.s32 $0x400, s19;
	s23 =	sand.u32 $0x2000, s18;
	s24 =	sand.u32 $0x380, s17;
	[tilespmem:s22+$0x0] =	vst.add.f32.msk $0xffff, v3  }
0x29d: {  	s22 =	sand.u32 $0x1C00, s19;
	p0 =	slt.u32 s18, $0x3F80;
	s23 =	sor.u32 s24, s23;
	[tilespmem:s20+$0x0] =	vst.add.f32.msk $0xffff, v0  }
0x29e: {  	s24 =	sor.u32 s22, s23;
	[tilespmem:s21+$0x0] =	vst.add.f32.msk $0xffff, v1  }
0x29f: {  	s25 =	sor.u32 $0x10000, s24;
	s26 =	sor.u32 $0x10010, s24;
	s28 =	sor.u32 $0x10020, s24;
	v0 =	vld [tilespmem:s24+$0xC070]  }
0x2a0: {  	s23 =	sor.u32 $0x10030, s24;
	s22 =	sor.u32 $0x10040, s24;
	s20 =	sor.u32 $0x10050, s24;
	v4 =	vld [tilespmem:s24+$0xC000]  }
0x2a1: {  	s21 =	sor.u32 $0x10060, s24;
	v5 =	vld [tilespmem:s24+$0xC010]  }
0x2a2: {  	v6 =	vld [tilespmem:s24+$0xC020]  }
0x2a3: {  	s29 =	sor.u32 $0x10070, s24;
	v2 =	vld [tilespmem:s24+$0xC030]  }
0x2a4: {  	[tilespmem:s29+$0x0] =	vst.add.f32.msk $0xffff, v0  }
0x2a5: {  	v3 =	vld [tilespmem:s24+$0xC040]  }
.Ltmp15:
0x2a6: {  	v0 =	vld [tilespmem:s24+$0xC050];
	(pc) =	sbr.rel @p0 .LBB2_32-.Ltmp15, $4  }
0x2a7: {  	v1 =	vld [tilespmem:s24+$0xC060]  }
0x2a8: {  	[tilespmem:s25+$0x0] =	vst.add.f32.msk $0xffff, v4  }
0x2a9: {  	[tilespmem:s26+$0x0] =	vst.add.f32.msk $0xffff, v5  }
0x2aa: {  	[tilespmem:s28+$0x0] =	vst.add.f32.msk $0xffff, v6  }
0x2ab: {  	[tilespmem:s23+$0x0] =	vst.add.f32.msk $0xffff, v2  }
0x2ac: {  	[tilespmem:s22+$0x0] =	vst.add.f32.msk $0xffff, v3  }
0x2ad: {  	[tilespmem:s20+$0x0] =	vst.add.f32.msk $0xffff, v0  }
0x2ae: {  	[tilespmem:s21+$0x0] =	vst.add.f32.msk $0xffff, v1  }
0x2af: {  	[hbm4b:s4+s1] =	stream.linear.scatter [tilespmem:s6], [sflag:$0x5], $0x4000, $0x38;
	[tilespmem:$0x1C000] =	vst v63  }
0x2b0: {  	_ =	swait.ge [sflag:s13], $0x4000  }
0x2b1: {  	[sflag:s13] =	ssyncset.done $0x0  }
0x2b2: {  	s16 =	sadd.s32 $0x1, s16;
	[sflag:s13] =	ssyncadd.s32 $0xFFFFC000  }
0x2b3: {  	p0 =	sne.s32 s16, s5;
	_ =	swait.ge [sflag:s15], $0x4000  }
.Ltmp16:
0x2b4: {  	[sflag:s15] =	ssyncset.done $0x0;
	(pc) =	sbr.rel @p0 .LBB2_1-.Ltmp16, $4  }
0x2b5: {  	[sflag:s15] =	ssyncadd.s32 $0xFFFFC000  }
0x2b6: {  	_ =	swait.ge [sflag:s11], $0x4000  }
0x2b7: {  	[sflag:s11] =	ssyncset.done $0x0  }
0x2b8: {  	[sflag:s11] =	ssyncadd.s32 $0xFFFFC000  }
0x2b9: {  	_ =	sfence.sel $0x180000  }
0x2ba: {  	[bflag:$0x0] =	sbarrier.arrive $0xFFFF  }
0x2bb: {  	_ =	strace $0x90000047  }
0x2bc: {  	s0 =	stileid.u32;
	[bflag:$0x2] =	sbarrier.arrive $0xFFFF  }
0x2bd: {  	p0 =	sne.s32 s0, $0x0;
	s0 =	rddreg [dreg:$0x3]  }
0x2be: {  	s0 =	sadd.s32 @!p0 $0x100000, s0  }
0x2bf: {  	[sflag:s0] =	ssyncadd.tile.s32 @!p0 $0x1;
	_ =	shalt  }
.Lfunc_end2:
_tile_overlayer_lowered:
.L_overlay_start_2:
0x2c0: {  	(tag) =	ssettag $0x2  }
0x2c1: {  	s0 =	rddreg [dreg:$0x0];
	s2 =	stileid.u32  }
0x2c2: {  	s1 =	rddreg [dreg:$0x1];
	p0 =	sne.s32 s2, $0x0  }
0x2c3: {  	s3 =	rddreg [dreg:$0x2];
	[bflag:$0x3] =	sbarrier.arrive $0xFFFF;
	s2 =	simm.s32 @!p0 $0x1C08  }
0x2c4: {  	[timem:s3], [sflag:s2] =	dma.local @!p0 [hbm:s0], s1  }
0x2c5: {  	s0 =	simm.s32 @!p0 $0x8  }
0x2c6: {  	_ =	swait.ge @!p0 [sflag:s0], s1  }
0x2c7: {  	s1 =	ssub.s32 @!p0 $0x0, s1;
	[sflag:s0] =	ssyncset.done @!p0 $0x0  }
0x2c8: {  	[sflag:s0] =	ssyncadd.s32 @!p0 s1  }
0x2c9: {  	[bflag:$0x3] =	sbarrier.arrive $0xFFFF  }
0x2ca: {  	_ =	shalt  }

</sc_bundles>
